<compile_context>
chip_gen: v7x
topology: tpu7x:2x2x1
jax: 0.10.2.dev20260603
libtpu: 0.0.44.dev20260713+nightly
codegen_flags: <defaults>
</compile_context>

<pallas_src>
import dataclasses
import functools

import jax
import jax.numpy as jnp
from jax import lax
from jax.experimental import pallas as pl
from jax.experimental.pallas import tpu as pltpu
from jax.experimental.pallas import tpu_sc as plsc

N_NODES = 10000
N_EDGES = 320000
D_FEAT = 128
OUT_CH = 4

NC, NS = 2, 16
NW = NC * NS
EPT = N_EDGES // NW
LANES = 16
NV = 10000
HALF = N_NODES // 2
NVP = 10240
GAP = NVP // 2 - HALF
CHE = 2000
NCOL = OUT_CH + 1


def _project_body(x_ref, ei_ref, wlt_ref, wrt_ref,
                  y_ref, z_ref, src_ref, dst_ref):
  x = x_ref[...]
  dn = (((1,), (1,)), ((), ()))
  y_ref[...] = lax.dot_general(
      wlt_ref[...], x, dn, preferred_element_type=jnp.float32)
  z_ref[...] = lax.dot_general(
      wrt_ref[...], x, dn, preferred_element_type=jnp.float32)
  src_ref[...] = ei_ref[0, :]
  dst_ref[...] = ei_ref[1, :]


def _finish_body(acc_ref, z_ref, bl_ref, o_ref):
  s = jnp.sum(acc_ref[...], axis=0)
  deg = jnp.clip(s[OUT_CH:NCOL, :], 1.0, None)
  vals = s[0:OUT_CH, :] / deg + z_ref[...]
  o_ref[...] = jnp.max(vals, axis=1) + bl_ref[...][:, 0]


_SC_MESH = plsc.VectorSubcoreMesh(
    core_axis_name="c", subcore_axis_name="s", num_cores=NC, num_subcores=NS
)

_SC_PARAMS = pltpu.CompilerParams()
if "needs_layout_passes" in pltpu.CompilerParams.__dataclass_fields__:
  _SC_PARAMS = dataclasses.replace(_SC_PARAMS, needs_layout_passes=False)


@functools.partial(
    pl.kernel,
    out_type=jax.ShapeDtypeStruct((NW, NCOL, NV), jnp.float32),
    mesh=_SC_MESH,
    scratch_types=[
        pltpu.VMEM((OUT_CH, NV), jnp.float32),
        pltpu.VMEM((NCOL, NV), jnp.float32),
        pltpu.VMEM((CHE,), jnp.int32),
        pltpu.VMEM((CHE,), jnp.int32),
        pltpu.VMEM((CHE,), jnp.int32),
        pltpu.VMEM((CHE,), jnp.int32),
        pltpu.SemaphoreType.DMA,
        pltpu.SemaphoreType.DMA,
        pltpu.SemaphoreType.DMA,
    ],
    compiler_params=_SC_PARAMS,
)
def _edge_kernel(y_hbm, src_hbm, dst_hbm, out_hbm, y_v, acc_v,
                 src_v0, dst_v0, src_v1, dst_v1, sem, isem0, isem1):
  cid = lax.axis_index("c")
  sid = lax.axis_index("s")
  wid = cid * NS + sid

  bufs = [(src_v0, dst_v0, isem0), (src_v1, dst_v1, isem1)]
  nchunk = EPT // CHE
  base0 = wid * EPT
  cp_y = pltpu.async_copy(y_hbm, y_v, sem)
  cps = [pltpu.async_copy(src_hbm.at[pl.ds(base0, CHE)], src_v0, isem0),
         pltpu.async_copy(dst_hbm.at[pl.ds(base0, CHE)], dst_v0, isem0)]

  @plsc.parallel_loop(0, NV, step=LANES, unroll=4)
  def _(i):
    z = jnp.zeros((LANES,), jnp.float32)
    for c in range(NCOL):
      acc_v[c, pl.ds(i, LANES)] = z

  cp_y.wait()

  ones = jnp.ones((LANES,), jnp.float32)
  rows = [jnp.full((LANES,), c, jnp.int32) for c in range(NCOL)]

  for k in range(nchunk):
    src_v, dst_v, _ = bufs[k % 2]
    if k + 1 < nchunk:
      nsrc, ndst, nsem = bufs[(k + 1) % 2]
      nbase = base0 + (k + 1) * CHE
      cps.append(pltpu.async_copy(src_hbm.at[pl.ds(nbase, CHE)], nsrc, nsem))
      cps.append(pltpu.async_copy(dst_hbm.at[pl.ds(nbase, CHE)], ndst, nsem))
    cps.pop(0).wait()
    cps.pop(0).wait()

    @plsc.parallel_loop(0, CHE, step=LANES, unroll=8)
    def _(j):
      s = src_v[pl.ds(j, LANES)]
      d = dst_v[pl.ds(j, LANES)]
      for c in range(OUT_CH):
        g = plsc.load_gather(y_v, [rows[c], s])
        plsc.addupdate_scatter(acc_v, [rows[c], d], g)
      plsc.addupdate_scatter(acc_v, [rows[OUT_CH], d], ones)

  pltpu.sync_copy(acc_v, out_hbm.at[wid])


@jax.jit
def kernel(x, edge_index, W_l, b_l, W_r):
  wlt = W_l.T
  wrt = W_r.T
  bl = b_l.reshape(OUT_CH, 1)
  ei = edge_index.astype(jnp.int32)

  y, z, src, dst = pl.pallas_call(
      _project_body,
      out_shape=(
          jax.ShapeDtypeStruct((OUT_CH, NV), jnp.float32),
          jax.ShapeDtypeStruct((OUT_CH, NV), jnp.float32),
          jax.ShapeDtypeStruct((N_EDGES,), jnp.int32),
          jax.ShapeDtypeStruct((N_EDGES,), jnp.int32),
      ),
  )(x, ei, wlt, wrt)

  acc = _edge_kernel(y, src, dst)

  out = pl.pallas_call(
      _finish_body,
      out_shape=jax.ShapeDtypeStruct((OUT_CH,), jnp.float32),
  )(acc, z, bl)
  return out

# --- scband reference (transcript-rebuilt; emitter-appended) ---
"""Pipeline reference for scband-cluster-encoder-41188736369205 (READ-ONLY COPY).

The authoritative reference and input builder live on the scoring server;
editing this copy changes nothing except your own understanding.
"""

import jax, jax.numpy as jnp
import numpy as np

N_NODES = 10000
N_EDGES = 320000
D_FEAT = 128
OUT_CH = 4


def setup_inputs(seed: int = 0) -> dict:
    key = jax.random.key(seed)
    k_x, k_e, k_wl, k_bl, k_wr = jax.random.split(key, 5)
    x = jax.random.normal(k_x, (N_NODES, D_FEAT), dtype=jnp.float32)
    edge_index = jax.random.randint(k_e, (2, N_EDGES), 0, N_NODES, dtype=jnp.int64)
    # SAGEConv((-1,-1), 4): lin_l (neighbor aggregation path, with bias), lin_r (root path, no bias)
    scale = 1.0 / np.sqrt(D_FEAT)
    W_l = jax.random.uniform(k_wl, (D_FEAT, OUT_CH), dtype=jnp.float32, minval=-scale, maxval=scale)
    b_l = jax.random.uniform(k_bl, (OUT_CH,), dtype=jnp.float32, minval=-scale, maxval=scale)
    W_r = jax.random.uniform(k_wr, (D_FEAT, OUT_CH), dtype=jnp.float32, minval=-scale, maxval=scale)
    return {"x": x, "edge_index": edge_index, "W_l": W_l, "b_l": b_l, "W_r": W_r}


def reference(x, edge_index, W_l, b_l, W_r):
    # HeteroConv with a single ('clusters','near','clusters') SAGEConv; aggr='max' across
    # edge types is a no-op with one relation.
    src = edge_index[0]
    dst = edge_index[1]
    n = x.shape[0]
    # SAGEConv (aggr='mean'): out = lin_l(mean_{j in N(i)} x_j) + lin_r(x_i)
    msg = jnp.take(x, src, axis=0)
    agg_sum = jax.ops.segment_sum(msg, dst, num_segments=n)
    deg = jax.ops.segment_sum(jnp.ones((src.shape[0],), dtype=x.dtype), dst, num_segments=n)
    mean_agg = agg_sum / jnp.clip(deg, 1.0, None)[:, None]
    out_nodes = mean_agg @ W_l + b_l + x @ W_r
    # torch.max(out['clusters'], axis=0) -> values only
    out = jnp.max(out_nodes, axis=0)
    return out

if __name__ == "__main__":
    import jax
    _d = setup_inputs()
    print(jax.jit(kernel)(*tuple(_d.values())))

</pallas_src>

<mosaic_0001>
#map = affine_map<(d0, d1) -> (0, 0)>
#map1 = affine_map<(d0, d1) -> (0)>
#map2 = affine_map<(d0, d1) -> (0, 0, 0)>
module attributes {stable_mosaic.version = 14 : i64} {
  func.func @_edge_kernel(%arg0: i32, %arg1: i32, %arg2: memref<4x10000xf32, #tpu.memory_space<hbm>>, %arg3: memref<320000xi32, #tpu.memory_space<hbm>>, %arg4: memref<320000xi32, #tpu.memory_space<hbm>>, %arg5: memref<32x5x10000xf32, #tpu.memory_space<hbm>>, %arg6: memref<4x10000xf32, #tpu.memory_space<vmem>>, %arg7: memref<5x10000xf32, #tpu.memory_space<vmem>>, %arg8: memref<2000xi32, #tpu.memory_space<vmem>>, %arg9: memref<2000xi32, #tpu.memory_space<vmem>>, %arg10: memref<2000xi32, #tpu.memory_space<vmem>>, %arg11: memref<2000xi32, #tpu.memory_space<vmem>>, %arg12: memref<!tpu.dma_semaphore, #tpu.memory_space<semaphore_mem>>, %arg13: memref<!tpu.dma_semaphore, #tpu.memory_space<semaphore_mem>>, %arg14: memref<!tpu.dma_semaphore, #tpu.memory_space<semaphore_mem>>) attributes {dimension_semantics = [#tpu.dimension_semantics<core_parallel>, #tpu.dimension_semantics<subcore_parallel>], iteration_bounds = array<i64: 2, 16>, scalar_prefetch = 0 : i64, scratch_operands = 9 : i64, tpu.core_type = #tpu.core_type<sc_vector_subcore>, window_params = [{transform_indices = #map}, {transform_indices = #map1}, {transform_indices = #map1}, {transform_indices = #map2}]} {
    %mul3A = arith.constant 16 : i32
    %mul3A_0 = arith.muli %arg0, %mul3A : i32
    %add3A = arith.addi %mul3A_0, %arg1 : i32
    %mul3A_1 = arith.constant 10000 : i32
    %mul3A_2 = arith.muli %add3A, %mul3A_1 : i32
    tpu.enqueue_dma source(%arg2 : memref<4x10000xf32, #tpu.memory_space<hbm>>) target(%arg6 : memref<4x10000xf32, #tpu.memory_space<vmem>>) target_semaphore(%arg12 : memref<!tpu.dma_semaphore, #tpu.memory_space<semaphore_mem>>)
    %dma_start3A = tpu.memref_slice %arg3[%mul3A_2] : memref<320000xi32, #tpu.memory_space<hbm>> -> memref<2000xi32, #tpu.memory_space<hbm>>
    %dma_start3A_3 = tpu.memref_slice %arg3[%mul3A_2] : memref<320000xi32, #tpu.memory_space<hbm>> -> memref<2000xi32, #tpu.memory_space<hbm>>
    tpu.enqueue_dma source(%dma_start3A_3 : memref<2000xi32, #tpu.memory_space<hbm>>) target(%arg8 : memref<2000xi32, #tpu.memory_space<vmem>>) target_semaphore(%arg13 : memref<!tpu.dma_semaphore, #tpu.memory_space<semaphore_mem>>)
    %dma_start3A_4 = tpu.memref_slice %arg4[%mul3A_2] : memref<320000xi32, #tpu.memory_space<hbm>> -> memref<2000xi32, #tpu.memory_space<hbm>>
    %dma_start3A_5 = tpu.memref_slice %arg4[%mul3A_2] : memref<320000xi32, #tpu.memory_space<hbm>> -> memref<2000xi32, #tpu.memory_space<hbm>>
    tpu.enqueue_dma source(%dma_start3A_5 : memref<2000xi32, #tpu.memory_space<hbm>>) target(%arg9 : memref<2000xi32, #tpu.memory_space<vmem>>) target_semaphore(%arg13 : memref<!tpu.dma_semaphore, #tpu.memory_space<semaphore_mem>>)
    %parallel_loop3A = arith.constant 0 : i32
    %parallel_loop3A_6 = arith.constant 10000 : i32
    %parallel_loop3A_7 = arith.constant 16 : i32
    scf.for %parallel_loop3A_77 = %parallel_loop3A to %parallel_loop3A_6 step %parallel_loop3A_7  : i32 {
      %parallel_loop3A_78 = arith.constant 0.000000e+00 : f32
      %parallel_loop3A_79 = vector.broadcast %parallel_loop3A_78 : f32 to vector<16xf32>
      %parallel_loop3A_80 = arith.constant 0 : i32
      %parallel_loop3A_81 = arith.index_cast %parallel_loop3A_80 : i32 to index
      %parallel_loop3A_82 = arith.index_cast %parallel_loop3A_77 : i32 to index
      %parallel_loop3A_83 = tpu.vector_load %arg7[%parallel_loop3A_81, %parallel_loop3A_82] {strides = array<i32>} : memref<5x10000xf32, #tpu.memory_space<vmem>>, vector<16xf32>,
      tpu.vector_store %arg7[%parallel_loop3A_81, %parallel_loop3A_82], %parallel_loop3A_79 {strides = array<i32>} : memref<5x10000xf32, #tpu.memory_space<vmem>>, vector<16xf32>,
      %parallel_loop3A_84 = arith.constant 1 : i32
      %parallel_loop3A_85 = arith.index_cast %parallel_loop3A_84 : i32 to index
      %parallel_loop3A_86 = arith.index_cast %parallel_loop3A_77 : i32 to index
      %parallel_loop3A_87 = tpu.vector_load %arg7[%parallel_loop3A_85, %parallel_loop3A_86] {strides = array<i32>} : memref<5x10000xf32, #tpu.memory_space<vmem>>, vector<16xf32>,
      tpu.vector_store %arg7[%parallel_loop3A_85, %parallel_loop3A_86], %parallel_loop3A_79 {strides = array<i32>} : memref<5x10000xf32, #tpu.memory_space<vmem>>, vector<16xf32>,
      %parallel_loop3A_88 = arith.constant 2 : i32
      %parallel_loop3A_89 = arith.index_cast %parallel_loop3A_88 : i32 to index
      %parallel_loop3A_90 = arith.index_cast %parallel_loop3A_77 : i32 to index
      %parallel_loop3A_91 = tpu.vector_load %arg7[%parallel_loop3A_89, %parallel_loop3A_90] {strides = array<i32>} : memref<5x10000xf32, #tpu.memory_space<vmem>>, vector<16xf32>,
      tpu.vector_store %arg7[%parallel_loop3A_89, %parallel_loop3A_90], %parallel_loop3A_79 {strides = array<i32>} : memref<5x10000xf32, #tpu.memory_space<vmem>>, vector<16xf32>,
      %parallel_loop3A_92 = arith.constant 3 : i32
      %parallel_loop3A_93 = arith.index_cast %parallel_loop3A_92 : i32 to index
      %parallel_loop3A_94 = arith.index_cast %parallel_loop3A_77 : i32 to index
      %parallel_loop3A_95 = tpu.vector_load %arg7[%parallel_loop3A_93, %parallel_loop3A_94] {strides = array<i32>} : memref<5x10000xf32, #tpu.memory_space<vmem>>, vector<16xf32>,
      tpu.vector_store %arg7[%parallel_loop3A_93, %parallel_loop3A_94], %parallel_loop3A_79 {strides = array<i32>} : memref<5x10000xf32, #tpu.memory_space<vmem>>, vector<16xf32>,
      %parallel_loop3A_96 = arith.constant 4 : i32
      %parallel_loop3A_97 = arith.index_cast %parallel_loop3A_96 : i32 to index
      %parallel_loop3A_98 = arith.index_cast %parallel_loop3A_77 : i32 to index
      %parallel_loop3A_99 = tpu.vector_load %arg7[%parallel_loop3A_97, %parallel_loop3A_98] {strides = array<i32>} : memref<5x10000xf32, #tpu.memory_space<vmem>>, vector<16xf32>,
      tpu.vector_store %arg7[%parallel_loop3A_97, %parallel_loop3A_98], %parallel_loop3A_79 {strides = array<i32>} : memref<5x10000xf32, #tpu.memory_space<vmem>>, vector<16xf32>,
    } {sc.loop_unroll_factor = 4 : i64, sc.parallel_access}
    tpu.wait_dma2 semaphore(%arg12 : memref<!tpu.dma_semaphore, #tpu.memory_space<semaphore_mem>>) src(%arg2 : memref<4x10000xf32, #tpu.memory_space<hbm>>) dst(%arg6 : memref<4x10000xf32, #tpu.memory_space<vmem>>)
    %broadcast_in_dim3A = arith.constant 1.000000e+00 : f32
    %broadcast_in_dim3A_8 = vector.broadcast %broadcast_in_dim3A : f32 to vector<16xf32>
    %broadcast_in_dim3A_9 = arith.constant 0 : i32
    %broadcast_in_dim3A_10 = vector.broadcast %broadcast_in_dim3A_9 : i32 to vector<16xi32>
    %broadcast_in_dim3A_11 = arith.constant 1 : i32
    %broadcast_in_dim3A_12 = vector.broadcast %broadcast_in_dim3A_11 : i32 to vector<16xi32>
    %broadcast_in_dim3A_13 = arith.constant 2 : i32
    %broadcast_in_dim3A_14 = vector.broadcast %broadcast_in_dim3A_13 : i32 to vector<16xi32>
    %broadcast_in_dim3A_15 = arith.constant 3 : i32
    %broadcast_in_dim3A_16 = vector.broadcast %broadcast_in_dim3A_15 : i32 to vector<16xi32>
    %broadcast_in_dim3A_17 = arith.constant 4 : i32
    %broadcast_in_dim3A_18 = vector.broadcast %broadcast_in_dim3A_17 : i32 to vector<16xi32>
    %add3A_19 = arith.constant 2000 : i32
    %add3A_20 = arith.addi %mul3A_2, %add3A_19 : i32
    %dma_start3A_21 = tpu.memref_slice %arg3[%add3A_20] : memref<320000xi32, #tpu.memory_space<hbm>> -> memref<2000xi32, #tpu.memory_space<hbm>>
    %dma_start3A_22 = tpu.memref_slice %arg3[%add3A_20] : memref<320000xi32, #tpu.memory_space<hbm>> -> memref<2000xi32, #tpu.memory_space<hbm>>
    tpu.enqueue_dma source(%dma_start3A_22 : memref<2000xi32, #tpu.memory_space<hbm>>) target(%arg10 : memref<2000xi32, #tpu.memory_space<vmem>>) target_semaphore(%arg14 : memref<!tpu.dma_semaphore, #tpu.memory_space<semaphore_mem>>)
    %dma_start3A_23 = tpu.memref_slice %arg4[%add3A_20] : memref<320000xi32, #tpu.memory_space<hbm>> -> memref<2000xi32, #tpu.memory_space<hbm>>
    %dma_start3A_24 = tpu.memref_slice %arg4[%add3A_20] : memref<320000xi32, #tpu.memory_space<hbm>> -> memref<2000xi32, #tpu.memory_space<hbm>>
    tpu.enqueue_dma source(%dma_start3A_24 : memref<2000xi32, #tpu.memory_space<hbm>>) target(%arg11 : memref<2000xi32, #tpu.memory_space<vmem>>) target_semaphore(%arg14 : memref<!tpu.dma_semaphore, #tpu.memory_space<semaphore_mem>>)
    %dma_wait3A = tpu.memref_slice %arg3[%mul3A_2] : memref<320000xi32, #tpu.memory_space<hbm>> -> memref<2000xi32, #tpu.memory_space<hbm>>
    %dma_wait3A_25 = tpu.memref_slice %arg3[%mul3A_2] : memref<320000xi32, #tpu.memory_space<hbm>> -> memref<2000xi32, #tpu.memory_space<hbm>>
    tpu.wait_dma2 semaphore(%arg13 : memref<!tpu.dma_semaphore, #tpu.memory_space<semaphore_mem>>) src(%dma_wait3A_25 : memref<2000xi32, #tpu.memory_space<hbm>>) dst(%arg8 : memref<2000xi32, #tpu.memory_space<vmem>>)
    %dma_wait3A_26 = tpu.memref_slice %arg4[%mul3A_2] : memref<320000xi32, #tpu.memory_space<hbm>> -> memref<2000xi32, #tpu.memory_space<hbm>>
    %dma_wait3A_27 = tpu.memref_slice %arg4[%mul3A_2] : memref<320000xi32, #tpu.memory_space<hbm>> -> memref<2000xi32, #tpu.memory_space<hbm>>
    tpu.wait_dma2 semaphore(%arg13 : memref<!tpu.dma_semaphore, #tpu.memory_space<semaphore_mem>>) src(%dma_wait3A_27 : memref<2000xi32, #tpu.memory_space<hbm>>) dst(%arg9 : memref<2000xi32, #tpu.memory_space<vmem>>)
    %parallel_loop3A_28 = arith.constant 0 : i32
    %parallel_loop3A_29 = arith.constant 2000 : i32
    %parallel_loop3A_30 = arith.constant 16 : i32
    scf.for %parallel_loop3A_77 = %parallel_loop3A_28 to %parallel_loop3A_29 step %parallel_loop3A_30  : i32 {
      %parallel_loop3A_78 = arith.index_cast %parallel_loop3A_77 : i32 to index
      %parallel_loop3A_79 = tpu.vector_load %arg8[%parallel_loop3A_78] {strides = array<i32>} : memref<2000xi32, #tpu.memory_space<vmem>>, vector<16xi32>,
      %parallel_loop3A_80 = arith.index_cast %parallel_loop3A_77 : i32 to index
      %parallel_loop3A_81 = tpu.vector_load %arg9[%parallel_loop3A_80] {strides = array<i32>} : memref<2000xi32, #tpu.memory_space<vmem>>, vector<16xi32>,
      %parallel_loop3A_82 = tpu.vector_load_idx %arg6[%broadcast_in_dim3A_10, %parallel_loop3A_79] : memref<4x10000xf32, #tpu.memory_space<vmem>>[vector<16xi32>, vector<16xi32>], vector<16xf32>,
      tpu.vector_store_idx %arg7[%broadcast_in_dim3A_10, %parallel_loop3A_81], %parallel_loop3A_82 {add = true} : memref<5x10000xf32, #tpu.memory_space<vmem>>[vector<16xi32>, vector<16xi32>], vector<16xf32>,
      %parallel_loop3A_83 = tpu.vector_load_idx %arg6[%broadcast_in_dim3A_12, %parallel_loop3A_79] : memref<4x10000xf32, #tpu.memory_space<vmem>>[vector<16xi32>, vector<16xi32>], vector<16xf32>,
      tpu.vector_store_idx %arg7[%broadcast_in_dim3A_12, %parallel_loop3A_81], %parallel_loop3A_83 {add = true} : memref<5x10000xf32, #tpu.memory_space<vmem>>[vector<16xi32>, vector<16xi32>], vector<16xf32>,
      %parallel_loop3A_84 = tpu.vector_load_idx %arg6[%broadcast_in_dim3A_14, %parallel_loop3A_79] : memref<4x10000xf32, #tpu.memory_space<vmem>>[vector<16xi32>, vector<16xi32>], vector<16xf32>,
      tpu.vector_store_idx %arg7[%broadcast_in_dim3A_14, %parallel_loop3A_81], %parallel_loop3A_84 {add = true} : memref<5x10000xf32, #tpu.memory_space<vmem>>[vector<16xi32>, vector<16xi32>], vector<16xf32>,
      %parallel_loop3A_85 = tpu.vector_load_idx %arg6[%broadcast_in_dim3A_16, %parallel_loop3A_79] : memref<4x10000xf32, #tpu.memory_space<vmem>>[vector<16xi32>, vector<16xi32>], vector<16xf32>,
      tpu.vector_store_idx %arg7[%broadcast_in_dim3A_16, %parallel_loop3A_81], %parallel_loop3A_85 {add = true} : memref<5x10000xf32, #tpu.memory_space<vmem>>[vector<16xi32>, vector<16xi32>], vector<16xf32>,
      tpu.vector_store_idx %arg7[%broadcast_in_dim3A_18, %parallel_loop3A_81], %broadcast_in_dim3A_8 {add = true} : memref<5x10000xf32, #tpu.memory_space<vmem>>[vector<16xi32>, vector<16xi32>], vector<16xf32>,
    } {sc.loop_unroll_factor = 8 : i64, sc.parallel_access}
    %add3A_31 = arith.constant 4000 : i32
    %add3A_32 = arith.addi %mul3A_2, %add3A_31 : i32
    %dma_start3A_33 = tpu.memref_slice %arg3[%add3A_32] : memref<320000xi32, #tpu.memory_space<hbm>> -> memref<2000xi32, #tpu.memory_space<hbm>>
    %dma_start3A_34 = tpu.memref_slice %arg3[%add3A_32] : memref<320000xi32, #tpu.memory_space<hbm>> -> memref<2000xi32, #tpu.memory_space<hbm>>
    tpu.enqueue_dma source(%dma_start3A_34 : memref<2000xi32, #tpu.memory_space<hbm>>) target(%arg8 : memref<2000xi32, #tpu.memory_space<vmem>>) target_semaphore(%arg13 : memref<!tpu.dma_semaphore, #tpu.memory_space<semaphore_mem>>)
    %dma_start3A_35 = tpu.memref_slice %arg4[%add3A_32] : memref<320000xi32, #tpu.memory_space<hbm>> -> memref<2000xi32, #tpu.memory_space<hbm>>
    %dma_start3A_36 = tpu.memref_slice %arg4[%add3A_32] : memref<320000xi32, #tpu.memory_space<hbm>> -> memref<2000xi32, #tpu.memory_space<hbm>>
    tpu.enqueue_dma source(%dma_start3A_36 : memref<2000xi32, #tpu.memory_space<hbm>>) target(%arg9 : memref<2000xi32, #tpu.memory_space<vmem>>) target_semaphore(%arg13 : memref<!tpu.dma_semaphore, #tpu.memory_space<semaphore_mem>>)
    %dma_wait3A_37 = tpu.memref_slice %arg3[%add3A_20] : memref<320000xi32, #tpu.memory_space<hbm>> -> memref<2000xi32, #tpu.memory_space<hbm>>
    %dma_wait3A_38 = tpu.memref_slice %arg3[%add3A_20] : memref<320000xi32, #tpu.memory_space<hbm>> -> memref<2000xi32, #tpu.memory_space<hbm>>
    tpu.wait_dma2 semaphore(%arg14 : memref<!tpu.dma_semaphore, #tpu.memory_space<semaphore_mem>>) src(%dma_wait3A_38 : memref<2000xi32, #tpu.memory_space<hbm>>) dst(%arg10 : memref<2000xi32, #tpu.memory_space<vmem>>)
    %dma_wait3A_39 = tpu.memref_slice %arg4[%add3A_20] : memref<320000xi32, #tpu.memory_space<hbm>> -> memref<2000xi32, #tpu.memory_space<hbm>>
    %dma_wait3A_40 = tpu.memref_slice %arg4[%add3A_20] : memref<320000xi32, #tpu.memory_space<hbm>> -> memref<2000xi32, #tpu.memory_space<hbm>>
    tpu.wait_dma2 semaphore(%arg14 : memref<!tpu.dma_semaphore, #tpu.memory_space<semaphore_mem>>) src(%dma_wait3A_40 : memref<2000xi32, #tpu.memory_space<hbm>>) dst(%arg11 : memref<2000xi32, #tpu.memory_space<vmem>>)
    %parallel_loop3A_41 = arith.constant 0 : i32
    %parallel_loop3A_42 = arith.constant 2000 : i32
    %parallel_loop3A_43 = arith.constant 16 : i32
    scf.for %parallel_loop3A_77 = %parallel_loop3A_41 to %parallel_loop3A_42 step %parallel_loop3A_43  : i32 {
      %parallel_loop3A_78 = arith.index_cast %parallel_loop3A_77 : i32 to index
      %parallel_loop3A_79 = tpu.vector_load %arg10[%parallel_loop3A_78] {strides = array<i32>} : memref<2000xi32, #tpu.memory_space<vmem>>, vector<16xi32>,
      %parallel_loop3A_80 = arith.index_cast %parallel_loop3A_77 : i32 to index
      %parallel_loop3A_81 = tpu.vector_load %arg11[%parallel_loop3A_80] {strides = array<i32>} : memref<2000xi32, #tpu.memory_space<vmem>>, vector<16xi32>,
      %parallel_loop3A_82 = tpu.vector_load_idx %arg6[%broadcast_in_dim3A_10, %parallel_loop3A_79] : memref<4x10000xf32, #tpu.memory_space<vmem>>[vector<16xi32>, vector<16xi32>], vector<16xf32>,
      tpu.vector_store_idx %arg7[%broadcast_in_dim3A_10, %parallel_loop3A_81], %parallel_loop3A_82 {add = true} : memref<5x10000xf32, #tpu.memory_space<vmem>>[vector<16xi32>, vector<16xi32>], vector<16xf32>,
      %parallel_loop3A_83 = tpu.vector_load_idx %arg6[%broadcast_in_dim3A_12, %parallel_loop3A_79] : memref<4x10000xf32, #tpu.memory_space<vmem>>[vector<16xi32>, vector<16xi32>], vector<16xf32>,
      tpu.vector_store_idx %arg7[%broadcast_in_dim3A_12, %parallel_loop3A_81], %parallel_loop3A_83 {add = true} : memref<5x10000xf32, #tpu.memory_space<vmem>>[vector<16xi32>, vector<16xi32>], vector<16xf32>,
      %parallel_loop3A_84 = tpu.vector_load_idx %arg6[%broadcast_in_dim3A_14, %parallel_loop3A_79] : memref<4x10000xf32, #tpu.memory_space<vmem>>[vector<16xi32>, vector<16xi32>], vector<16xf32>,
      tpu.vector_store_idx %arg7[%broadcast_in_dim3A_14, %parallel_loop3A_81], %parallel_loop3A_84 {add = true} : memref<5x10000xf32, #tpu.memory_space<vmem>>[vector<16xi32>, vector<16xi32>], vector<16xf32>,
      %parallel_loop3A_85 = tpu.vector_load_idx %arg6[%broadcast_in_dim3A_16, %parallel_loop3A_79] : memref<4x10000xf32, #tpu.memory_space<vmem>>[vector<16xi32>, vector<16xi32>], vector<16xf32>,
      tpu.vector_store_idx %arg7[%broadcast_in_dim3A_16, %parallel_loop3A_81], %parallel_loop3A_85 {add = true} : memref<5x10000xf32, #tpu.memory_space<vmem>>[vector<16xi32>, vector<16xi32>], vector<16xf32>,
      tpu.vector_store_idx %arg7[%broadcast_in_dim3A_18, %parallel_loop3A_81], %broadcast_in_dim3A_8 {add = true} : memref<5x10000xf32, #tpu.memory_space<vmem>>[vector<16xi32>, vector<16xi32>], vector<16xf32>,
    } {sc.loop_unroll_factor = 8 : i64, sc.parallel_access}
    %add3A_44 = arith.constant 6000 : i32
    %add3A_45 = arith.addi %mul3A_2, %add3A_44 : i32
    %dma_start3A_46 = tpu.memref_slice %arg3[%add3A_45] : memref<320000xi32, #tpu.memory_space<hbm>> -> memref<2000xi32, #tpu.memory_space<hbm>>
    %dma_start3A_47 = tpu.memref_slice %arg3[%add3A_45] : memref<320000xi32, #tpu.memory_space<hbm>> -> memref<2000xi32, #tpu.memory_space<hbm>>
    tpu.enqueue_dma source(%dma_start3A_47 : memref<2000xi32, #tpu.memory_space<hbm>>) target(%arg10 : memref<2000xi32, #tpu.memory_space<vmem>>) target_semaphore(%arg14 : memref<!tpu.dma_semaphore, #tpu.memory_space<semaphore_mem>>)
    %dma_start3A_48 = tpu.memref_slice %arg4[%add3A_45] : memref<320000xi32, #tpu.memory_space<hbm>> -> memref<2000xi32, #tpu.memory_space<hbm>>
    %dma_start3A_49 = tpu.memref_slice %arg4[%add3A_45] : memref<320000xi32, #tpu.memory_space<hbm>> -> memref<2000xi32, #tpu.memory_space<hbm>>
    tpu.enqueue_dma source(%dma_start3A_49 : memref<2000xi32, #tpu.memory_space<hbm>>) target(%arg11 : memref<2000xi32, #tpu.memory_space<vmem>>) target_semaphore(%arg14 : memref<!tpu.dma_semaphore, #tpu.memory_space<semaphore_mem>>)
    %dma_wait3A_50 = tpu.memref_slice %arg3[%add3A_32] : memref<320000xi32, #tpu.memory_space<hbm>> -> memref<2000xi32, #tpu.memory_space<hbm>>
    %dma_wait3A_51 = tpu.memref_slice %arg3[%add3A_32] : memref<320000xi32, #tpu.memory_space<hbm>> -> memref<2000xi32, #tpu.memory_space<hbm>>
    tpu.wait_dma2 semaphore(%arg13 : memref<!tpu.dma_semaphore, #tpu.memory_space<semaphore_mem>>) src(%dma_wait3A_51 : memref<2000xi32, #tpu.memory_space<hbm>>) dst(%arg8 : memref<2000xi32, #tpu.memory_space<vmem>>)
    %dma_wait3A_52 = tpu.memref_slice %arg4[%add3A_32] : memref<320000xi32, #tpu.memory_space<hbm>> -> memref<2000xi32, #tpu.memory_space<hbm>>
    %dma_wait3A_53 = tpu.memref_slice %arg4[%add3A_32] : memref<320000xi32, #tpu.memory_space<hbm>> -> memref<2000xi32, #tpu.memory_space<hbm>>
    tpu.wait_dma2 semaphore(%arg13 : memref<!tpu.dma_semaphore, #tpu.memory_space<semaphore_mem>>) src(%dma_wait3A_53 : memref<2000xi32, #tpu.memory_space<hbm>>) dst(%arg9 : memref<2000xi32, #tpu.memory_space<vmem>>)
    %parallel_loop3A_54 = arith.constant 0 : i32
    %parallel_loop3A_55 = arith.constant 2000 : i32
    %parallel_loop3A_56 = arith.constant 16 : i32
    scf.for %parallel_loop3A_77 = %parallel_loop3A_54 to %parallel_loop3A_55 step %parallel_loop3A_56  : i32 {
      %parallel_loop3A_78 = arith.index_cast %parallel_loop3A_77 : i32 to index
      %parallel_loop3A_79 = tpu.vector_load %arg8[%parallel_loop3A_78] {strides = array<i32>} : memref<2000xi32, #tpu.memory_space<vmem>>, vector<16xi32>,
      %parallel_loop3A_80 = arith.index_cast %parallel_loop3A_77 : i32 to index
      %parallel_loop3A_81 = tpu.vector_load %arg9[%parallel_loop3A_80] {strides = array<i32>} : memref<2000xi32, #tpu.memory_space<vmem>>, vector<16xi32>,
      %parallel_loop3A_82 = tpu.vector_load_idx %arg6[%broadcast_in_dim3A_10, %parallel_loop3A_79] : memref<4x10000xf32, #tpu.memory_space<vmem>>[vector<16xi32>, vector<16xi32>], vector<16xf32>,
      tpu.vector_store_idx %arg7[%broadcast_in_dim3A_10, %parallel_loop3A_81], %parallel_loop3A_82 {add = true} : memref<5x10000xf32, #tpu.memory_space<vmem>>[vector<16xi32>, vector<16xi32>], vector<16xf32>,
      %parallel_loop3A_83 = tpu.vector_load_idx %arg6[%broadcast_in_dim3A_12, %parallel_loop3A_79] : memref<4x10000xf32, #tpu.memory_space<vmem>>[vector<16xi32>, vector<16xi32>], vector<16xf32>,
      tpu.vector_store_idx %arg7[%broadcast_in_dim3A_12, %parallel_loop3A_81], %parallel_loop3A_83 {add = true} : memref<5x10000xf32, #tpu.memory_space<vmem>>[vector<16xi32>, vector<16xi32>], vector<16xf32>,
      %parallel_loop3A_84 = tpu.vector_load_idx %arg6[%broadcast_in_dim3A_14, %parallel_loop3A_79] : memref<4x10000xf32, #tpu.memory_space<vmem>>[vector<16xi32>, vector<16xi32>], vector<16xf32>,
      tpu.vector_store_idx %arg7[%broadcast_in_dim3A_14, %parallel_loop3A_81], %parallel_loop3A_84 {add = true} : memref<5x10000xf32, #tpu.memory_space<vmem>>[vector<16xi32>, vector<16xi32>], vector<16xf32>,
      %parallel_loop3A_85 = tpu.vector_load_idx %arg6[%broadcast_in_dim3A_16, %parallel_loop3A_79] : memref<4x10000xf32, #tpu.memory_space<vmem>>[vector<16xi32>, vector<16xi32>], vector<16xf32>,
      tpu.vector_store_idx %arg7[%broadcast_in_dim3A_16, %parallel_loop3A_81], %parallel_loop3A_85 {add = true} : memref<5x10000xf32, #tpu.memory_space<vmem>>[vector<16xi32>, vector<16xi32>], vector<16xf32>,
      tpu.vector_store_idx %arg7[%broadcast_in_dim3A_18, %parallel_loop3A_81], %broadcast_in_dim3A_8 {add = true} : memref<5x10000xf32, #tpu.memory_space<vmem>>[vector<16xi32>, vector<16xi32>], vector<16xf32>,
    } {sc.loop_unroll_factor = 8 : i64, sc.parallel_access}
    %add3A_57 = arith.constant 8000 : i32
    %add3A_58 = arith.addi %mul3A_2, %add3A_57 : i32
    %dma_start3A_59 = tpu.memref_slice %arg3[%add3A_58] : memref<320000xi32, #tpu.memory_space<hbm>> -> memref<2000xi32, #tpu.memory_space<hbm>>
    %dma_start3A_60 = tpu.memref_slice %arg3[%add3A_58] : memref<320000xi32, #tpu.memory_space<hbm>> -> memref<2000xi32, #tpu.memory_space<hbm>>
    tpu.enqueue_dma source(%dma_start3A_60 : memref<2000xi32, #tpu.memory_space<hbm>>) target(%arg8 : memref<2000xi32, #tpu.memory_space<vmem>>) target_semaphore(%arg13 : memref<!tpu.dma_semaphore, #tpu.memory_space<semaphore_mem>>)
    %dma_start3A_61 = tpu.memref_slice %arg4[%add3A_58] : memref<320000xi32, #tpu.memory_space<hbm>> -> memref<2000xi32, #tpu.memory_space<hbm>>
    %dma_start3A_62 = tpu.memref_slice %arg4[%add3A_58] : memref<320000xi32, #tpu.memory_space<hbm>> -> memref<2000xi32, #tpu.memory_space<hbm>>
    tpu.enqueue_dma source(%dma_start3A_62 : memref<2000xi32, #tpu.memory_space<hbm>>) target(%arg9 : memref<2000xi32, #tpu.memory_space<vmem>>) target_semaphore(%arg13 : memref<!tpu.dma_semaphore, #tpu.memory_space<semaphore_mem>>)
    %dma_wait3A_63 = tpu.memref_slice %arg3[%add3A_45] : memref<320000xi32, #tpu.memory_space<hbm>> -> memref<2000xi32, #tpu.memory_space<hbm>>
    %dma_wait3A_64 = tpu.memref_slice %arg3[%add3A_45] : memref<320000xi32, #tpu.memory_space<hbm>> -> memref<2000xi32, #tpu.memory_space<hbm>>
    tpu.wait_dma2 semaphore(%arg14 : memref<!tpu.dma_semaphore, #tpu.memory_space<semaphore_mem>>) src(%dma_wait3A_64 : memref<2000xi32, #tpu.memory_space<hbm>>) dst(%arg10 : memref<2000xi32, #tpu.memory_space<vmem>>)
    %dma_wait3A_65 = tpu.memref_slice %arg4[%add3A_45] : memref<320000xi32, #tpu.memory_space<hbm>> -> memref<2000xi32, #tpu.memory_space<hbm>>
    %dma_wait3A_66 = tpu.memref_slice %arg4[%add3A_45] : memref<320000xi32, #tpu.memory_space<hbm>> -> memref<2000xi32, #tpu.memory_space<hbm>>
    tpu.wait_dma2 semaphore(%arg14 : memref<!tpu.dma_semaphore, #tpu.memory_space<semaphore_mem>>) src(%dma_wait3A_66 : memref<2000xi32, #tpu.memory_space<hbm>>) dst(%arg11 : memref<2000xi32, #tpu.memory_space<vmem>>)
    %parallel_loop3A_67 = arith.constant 0 : i32
    %parallel_loop3A_68 = arith.constant 2000 : i32
    %parallel_loop3A_69 = arith.constant 16 : i32
    scf.for %parallel_loop3A_77 = %parallel_loop3A_67 to %parallel_loop3A_68 step %parallel_loop3A_69  : i32 {
      %parallel_loop3A_78 = arith.index_cast %parallel_loop3A_77 : i32 to index
      %parallel_loop3A_79 = tpu.vector_load %arg10[%parallel_loop3A_78] {strides = array<i32>} : memref<2000xi32, #tpu.memory_space<vmem>>, vector<16xi32>,
      %parallel_loop3A_80 = arith.index_cast %parallel_loop3A_77 : i32 to index
      %parallel_loop3A_81 = tpu.vector_load %arg11[%parallel_loop3A_80] {strides = array<i32>} : memref<2000xi32, #tpu.memory_space<vmem>>, vector<16xi32>,
      %parallel_loop3A_82 = tpu.vector_load_idx %arg6[%broadcast_in_dim3A_10, %parallel_loop3A_79] : memref<4x10000xf32, #tpu.memory_space<vmem>>[vector<16xi32>, vector<16xi32>], vector<16xf32>,
      tpu.vector_store_idx %arg7[%broadcast_in_dim3A_10, %parallel_loop3A_81], %parallel_loop3A_82 {add = true} : memref<5x10000xf32, #tpu.memory_space<vmem>>[vector<16xi32>, vector<16xi32>], vector<16xf32>,
      %parallel_loop3A_83 = tpu.vector_load_idx %arg6[%broadcast_in_dim3A_12, %parallel_loop3A_79] : memref<4x10000xf32, #tpu.memory_space<vmem>>[vector<16xi32>, vector<16xi32>], vector<16xf32>,
      tpu.vector_store_idx %arg7[%broadcast_in_dim3A_12, %parallel_loop3A_81], %parallel_loop3A_83 {add = true} : memref<5x10000xf32, #tpu.memory_space<vmem>>[vector<16xi32>, vector<16xi32>], vector<16xf32>,
      %parallel_loop3A_84 = tpu.vector_load_idx %arg6[%broadcast_in_dim3A_14, %parallel_loop3A_79] : memref<4x10000xf32, #tpu.memory_space<vmem>>[vector<16xi32>, vector<16xi32>], vector<16xf32>,
      tpu.vector_store_idx %arg7[%broadcast_in_dim3A_14, %parallel_loop3A_81], %parallel_loop3A_84 {add = true} : memref<5x10000xf32, #tpu.memory_space<vmem>>[vector<16xi32>, vector<16xi32>], vector<16xf32>,
      %parallel_loop3A_85 = tpu.vector_load_idx %arg6[%broadcast_in_dim3A_16, %parallel_loop3A_79] : memref<4x10000xf32, #tpu.memory_space<vmem>>[vector<16xi32>, vector<16xi32>], vector<16xf32>,
      tpu.vector_store_idx %arg7[%broadcast_in_dim3A_16, %parallel_loop3A_81], %parallel_loop3A_85 {add = true} : memref<5x10000xf32, #tpu.memory_space<vmem>>[vector<16xi32>, vector<16xi32>], vector<16xf32>,
      tpu.vector_store_idx %arg7[%broadcast_in_dim3A_18, %parallel_loop3A_81], %broadcast_in_dim3A_8 {add = true} : memref<5x10000xf32, #tpu.memory_space<vmem>>[vector<16xi32>, vector<16xi32>], vector<16xf32>,
    } {sc.loop_unroll_factor = 8 : i64, sc.parallel_access}
    %dma_wait3A_70 = tpu.memref_slice %arg3[%add3A_58] : memref<320000xi32, #tpu.memory_space<hbm>> -> memref<2000xi32, #tpu.memory_space<hbm>>
    %dma_wait3A_71 = tpu.memref_slice %arg3[%add3A_58] : memref<320000xi32, #tpu.memory_space<hbm>> -> memref<2000xi32, #tpu.memory_space<hbm>>
    tpu.wait_dma2 semaphore(%arg13 : memref<!tpu.dma_semaphore, #tpu.memory_space<semaphore_mem>>) src(%dma_wait3A_71 : memref<2000xi32, #tpu.memory_space<hbm>>) dst(%arg8 : memref<2000xi32, #tpu.memory_space<vmem>>)
    %dma_wait3A_72 = tpu.memref_slice %arg4[%add3A_58] : memref<320000xi32, #tpu.memory_space<hbm>> -> memref<2000xi32, #tpu.memory_space<hbm>>
    %dma_wait3A_73 = tpu.memref_slice %arg4[%add3A_58] : memref<320000xi32, #tpu.memory_space<hbm>> -> memref<2000xi32, #tpu.memory_space<hbm>>
    tpu.wait_dma2 semaphore(%arg13 : memref<!tpu.dma_semaphore, #tpu.memory_space<semaphore_mem>>) src(%dma_wait3A_73 : memref<2000xi32, #tpu.memory_space<hbm>>) dst(%arg9 : memref<2000xi32, #tpu.memory_space<vmem>>)
    %parallel_loop3A_74 = arith.constant 0 : i32
    %parallel_loop3A_75 = arith.constant 2000 : i32
    %parallel_loop3A_76 = arith.constant 16 : i32
    scf.for %parallel_loop3A_77 = %parallel_loop3A_74 to %parallel_loop3A_75 step %parallel_loop3A_76  : i32 {
      %parallel_loop3A_78 = arith.index_cast %parallel_loop3A_77 : i32 to index
      %parallel_loop3A_79 = tpu.vector_load %arg8[%parallel_loop3A_78] {strides = array<i32>} : memref<2000xi32, #tpu.memory_space<vmem>>, vector<16xi32>,
      %parallel_loop3A_80 = arith.index_cast %parallel_loop3A_77 : i32 to index
      %parallel_loop3A_81 = tpu.vector_load %arg9[%parallel_loop3A_80] {strides = array<i32>} : memref<2000xi32, #tpu.memory_space<vmem>>, vector<16xi32>,
      %parallel_loop3A_82 = tpu.vector_load_idx %arg6[%broadcast_in_dim3A_10, %parallel_loop3A_79] : memref<4x10000xf32, #tpu.memory_space<vmem>>[vector<16xi32>, vector<16xi32>], vector<16xf32>,
      tpu.vector_store_idx %arg7[%broadcast_in_dim3A_10, %parallel_loop3A_81], %parallel_loop3A_82 {add = true} : memref<5x10000xf32, #tpu.memory_space<vmem>>[vector<16xi32>, vector<16xi32>], vector<16xf32>,
      %parallel_loop3A_83 = tpu.vector_load_idx %arg6[%broadcast_in_dim3A_12, %parallel_loop3A_79] : memref<4x10000xf32, #tpu.memory_space<vmem>>[vector<16xi32>, vector<16xi32>], vector<16xf32>,
      tpu.vector_store_idx %arg7[%broadcast_in_dim3A_12, %parallel_loop3A_81], %parallel_loop3A_83 {add = true} : memref<5x10000xf32, #tpu.memory_space<vmem>>[vector<16xi32>, vector<16xi32>], vector<16xf32>,
      %parallel_loop3A_84 = tpu.vector_load_idx %arg6[%broadcast_in_dim3A_14, %parallel_loop3A_79] : memref<4x10000xf32, #tpu.memory_space<vmem>>[vector<16xi32>, vector<16xi32>], vector<16xf32>,
      tpu.vector_store_idx %arg7[%broadcast_in_dim3A_14, %parallel_loop3A_81], %parallel_loop3A_84 {add = true} : memref<5x10000xf32, #tpu.memory_space<vmem>>[vector<16xi32>, vector<16xi32>], vector<16xf32>,
      %parallel_loop3A_85 = tpu.vector_load_idx %arg6[%broadcast_in_dim3A_16, %parallel_loop3A_79] : memref<4x10000xf32, #tpu.memory_space<vmem>>[vector<16xi32>, vector<16xi32>], vector<16xf32>,
      tpu.vector_store_idx %arg7[%broadcast_in_dim3A_16, %parallel_loop3A_81], %parallel_loop3A_85 {add = true} : memref<5x10000xf32, #tpu.memory_space<vmem>>[vector<16xi32>, vector<16xi32>], vector<16xf32>,
      tpu.vector_store_idx %arg7[%broadcast_in_dim3A_18, %parallel_loop3A_81], %broadcast_in_dim3A_8 {add = true} : memref<5x10000xf32, #tpu.memory_space<vmem>>[vector<16xi32>, vector<16xi32>], vector<16xf32>,
    } {sc.loop_unroll_factor = 8 : i64, sc.parallel_access}
    "tpu.region"() ({
      %run_scoped3A = tpu.sem_alloc : memref<!tpu.dma_semaphore, #tpu.memory_space<semaphore_mem>>
      %dma_start3A_77 = arith.constant 0 : i32
      %dma_start3A_78 = arith.constant 0 : i32
      %dma_start3A_79 = tpu.memref_slice %arg5[%add3A, %dma_start3A_77, %dma_start3A_78] : memref<32x5x10000xf32, #tpu.memory_space<hbm>> -> memref<1x5x10000xf32, #tpu.memory_space<hbm>>
      %dma_start3A_80 = tpu.memref_squeeze %dma_start3A_79 : memref<1x5x10000xf32, #tpu.memory_space<hbm>> -> memref<5x10000xf32, #tpu.memory_space<hbm>>
      %dma_start3A_81 = arith.constant 0 : i32
      %dma_start3A_82 = arith.constant 0 : i32
      %dma_start3A_83 = tpu.memref_slice %arg5[%add3A, %dma_start3A_81, %dma_start3A_82] : memref<32x5x10000xf32, #tpu.memory_space<hbm>> -> memref<1x5x10000xf32, #tpu.memory_space<hbm>>
      %dma_start3A_84 = tpu.memref_squeeze %dma_start3A_83 : memref<1x5x10000xf32, #tpu.memory_space<hbm>> -> memref<5x10000xf32, #tpu.memory_space<hbm>>
      tpu.enqueue_dma source(%arg7 : memref<5x10000xf32, #tpu.memory_space<vmem>>) target(%dma_start3A_84 : memref<5x10000xf32, #tpu.memory_space<hbm>>) target_semaphore(%run_scoped3A : memref<!tpu.dma_semaphore, #tpu.memory_space<semaphore_mem>>)
      %dma_wait3A_85 = arith.constant 0 : i32
      %dma_wait3A_86 = arith.constant 0 : i32
      %dma_wait3A_87 = tpu.memref_slice %arg5[%add3A, %dma_wait3A_85, %dma_wait3A_86] : memref<32x5x10000xf32, #tpu.memory_space<hbm>> -> memref<1x5x10000xf32, #tpu.memory_space<hbm>>
      %dma_wait3A_88 = tpu.memref_squeeze %dma_wait3A_87 : memref<1x5x10000xf32, #tpu.memory_space<hbm>> -> memref<5x10000xf32, #tpu.memory_space<hbm>>
      %dma_wait3A_89 = arith.constant 0 : i32
      %dma_wait3A_90 = arith.constant 0 : i32
      %dma_wait3A_91 = tpu.memref_slice %arg5[%add3A, %dma_wait3A_89, %dma_wait3A_90] : memref<32x5x10000xf32, #tpu.memory_space<hbm>> -> memref<1x5x10000xf32, #tpu.memory_space<hbm>>
      %dma_wait3A_92 = tpu.memref_squeeze %dma_wait3A_91 : memref<1x5x10000xf32, #tpu.memory_space<hbm>> -> memref<5x10000xf32, #tpu.memory_space<hbm>>
      tpu.wait_dma2 semaphore(%run_scoped3A : memref<!tpu.dma_semaphore, #tpu.memory_space<semaphore_mem>>) src(%arg7 : memref<5x10000xf32, #tpu.memory_space<vmem>>) dst(%dma_wait3A_92 : memref<5x10000xf32, #tpu.memory_space<hbm>>)
      tpu.yield
    }) : () -> ()
    return
  }
}

module attributes {stable_mosaic.version = 14 : i64} {
  func.func @_finish_body(%arg0: memref<32x5x10000xf32, #tpu.memory_space<vmem>>, %arg1: memref<4x10000xf32, #tpu.memory_space<vmem>>, %arg2: memref<4x1xf32, #tpu.memory_space<vmem>>, %arg3: memref<4xf32, #tpu.memory_space<vmem>>) attributes {dimension_semantics = [], scalar_prefetch = 0 : i64, scratch_operands = 0 : i64, tpu.core_type = #tpu.core_type<tc>} {
    %get3A = arith.constant 0 : index
    %get3A_0 = arith.constant 0 : index
    %get3A_1 = arith.constant 0 : index
    %get3A_2 = vector.load %arg0[%get3A, %get3A_0, %get3A_1] : memref<32x5x10000xf32, #tpu.memory_space<vmem>>, vector<32x5x10000xf32>
    %reduce_sum3A = arith.constant dense<0.000000e+00> : vector<5x10000xf32>
    %reduce_sum3A_3 = vector.multi_reduction <add>, %get3A_2, %reduce_sum3A [0] : vector<32x5x10000xf32> to vector<5x10000xf32>
    %slice3A = vector.extract_strided_slice %reduce_sum3A_3 {offsets = [4, 0], sizes = [1, 10000], strides = [1, 1]} : vector<5x10000xf32> to vector<1x10000xf32>
    %jit3A = arith.constant 1.000000e+00 : f32
    %max3A = vector.broadcast %jit3A : f32 to vector<1x10000xf32>
    %max3A_4 = arith.maximumf %max3A, %slice3A : vector<1x10000xf32>
    %slice3A_5 = vector.extract_strided_slice %reduce_sum3A_3 {offsets = [0, 0], sizes = [4, 10000], strides = [1, 1]} : vector<5x10000xf32> to vector<4x10000xf32>
    %div3A = vector.broadcast %max3A_4 : vector<1x10000xf32> to vector<4x10000xf32>
    %div3A_6 = arith.divf %slice3A_5, %div3A : vector<4x10000xf32>
    %get3A_7 = arith.constant 0 : index
    %get3A_8 = arith.constant 0 : index
    %get3A_9 = vector.load %arg1[%get3A_7, %get3A_8] : memref<4x10000xf32, #tpu.memory_space<vmem>>, vector<4x10000xf32>
    %add3A = arith.addf %div3A_6, %get3A_9 : vector<4x10000xf32>
    %reduce_max3A = arith.constant dense<0xFF800000> : vector<4xf32>
    %reduce_max3A_10 = vector.multi_reduction <maximumf>, %add3A, %reduce_max3A [1] : vector<4x10000xf32> to vector<4xf32>
    %get3A_11 = arith.constant 0 : index
    %get3A_12 = arith.constant 0 : index
    %get3A_13 = vector.load %arg2[%get3A_11, %get3A_12] : memref<4x1xf32, #tpu.memory_space<vmem>>, vector<4x1xf32>
    %squeeze3A = vector.shape_cast %get3A_13 : vector<4x1xf32> to vector<4xf32>
    %add3A_14 = arith.addf %reduce_max3A_10, %squeeze3A : vector<4xf32>
    %swap3A = arith.constant 0 : index
    %swap3A_15 = vector.load %arg3[%swap3A] : memref<4xf32, #tpu.memory_space<vmem>>, vector<4xf32>
    tpu.vector_store %arg3[%swap3A], %add3A_14 {strides = array<i32>} : memref<4xf32, #tpu.memory_space<vmem>>, vector<4xf32>,
    return
  }
}

module attributes {stable_mosaic.version = 14 : i64} {
  func.func @_project_body(%arg0: memref<10000x128xf32, #tpu.memory_space<vmem>>, %arg1: memref<2x320000xi32, #tpu.memory_space<vmem>>, %arg2: memref<4x128xf32, #tpu.memory_space<vmem>>, %arg3: memref<4x128xf32, #tpu.memory_space<vmem>>, %arg4: memref<4x10000xf32, #tpu.memory_space<vmem>>, %arg5: memref<4x10000xf32, #tpu.memory_space<vmem>>, %arg6: memref<320000xi32, #tpu.memory_space<vmem>>, %arg7: memref<320000xi32, #tpu.memory_space<vmem>>) attributes {dimension_semantics = [], scalar_prefetch = 0 : i64, scratch_operands = 0 : i64, tpu.core_type = #tpu.core_type<tc>} {
    %get3A = arith.constant 0 : index
    %get3A_0 = arith.constant 0 : index
    %get3A_1 = vector.load %arg0[%get3A, %get3A_0] : memref<10000x128xf32, #tpu.memory_space<vmem>>, vector<10000x128xf32>
    %get3A_2 = arith.constant 0 : index
    %get3A_3 = arith.constant 0 : index
    %get3A_4 = vector.load %arg2[%get3A_2, %get3A_3] : memref<4x128xf32, #tpu.memory_space<vmem>>, vector<4x128xf32>
    %dot_general3A = arith.constant dense<0.000000e+00> : vector<4x10000xf32>
    %dot_general3A_5 = tpu.matmul %get3A_4, %get3A_1, %dot_general3A {dimension_numbers = #tpu.dot_dimension_numbers<[1], [1], [0], [0], [0, 0, 1, 0], [], []>, transpose_lhs_hint = false} : vector<4x128xf32>, vector<10000x128xf32>, vector<4x10000xf32> -> vector<4x10000xf32>
    %swap3A = arith.constant 0 : index
    %swap3A_6 = arith.constant 0 : index
    %swap3A_7 = vector.load %arg4[%swap3A, %swap3A_6] : memref<4x10000xf32, #tpu.memory_space<vmem>>, vector<4x10000xf32>
    tpu.vector_store %arg4[%swap3A, %swap3A_6], %dot_general3A_5 {strides = array<i32>} : memref<4x10000xf32, #tpu.memory_space<vmem>>, vector<4x10000xf32>,
    %get3A_8 = arith.constant 0 : index
    %get3A_9 = arith.constant 0 : index
    %get3A_10 = vector.load %arg3[%get3A_8, %get3A_9] : memref<4x128xf32, #tpu.memory_space<vmem>>, vector<4x128xf32>
    %dot_general3A_11 = arith.constant dense<0.000000e+00> : vector<4x10000xf32>
    %dot_general3A_12 = tpu.matmul %get3A_10, %get3A_1, %dot_general3A_11 {dimension_numbers = #tpu.dot_dimension_numbers<[1], [1], [0], [0], [0, 0, 1, 0], [], []>, transpose_lhs_hint = false} : vector<4x128xf32>, vector<10000x128xf32>, vector<4x10000xf32> -> vector<4x10000xf32>
    %swap3A_13 = arith.constant 0 : index
    %swap3A_14 = arith.constant 0 : index
    %swap3A_15 = vector.load %arg5[%swap3A_13, %swap3A_14] : memref<4x10000xf32, #tpu.memory_space<vmem>>, vector<4x10000xf32>
    tpu.vector_store %arg5[%swap3A_13, %swap3A_14], %dot_general3A_12 {strides = array<i32>} : memref<4x10000xf32, #tpu.memory_space<vmem>>, vector<4x10000xf32>,
    %get3A_16 = arith.constant 0 : index
    %get3A_17 = arith.constant 0 : index
    %get3A_18 = vector.load %arg1[%get3A_16, %get3A_17] : memref<2x320000xi32, #tpu.memory_space<vmem>>, vector<1x320000xi32>
    %get3A_19 = vector.shape_cast %get3A_18 : vector<1x320000xi32> to vector<320000xi32>
    %swap3A_20 = arith.constant 0 : index
    %swap3A_21 = vector.load %arg6[%swap3A_20] : memref<320000xi32, #tpu.memory_space<vmem>>, vector<320000xi32>
    tpu.vector_store %arg6[%swap3A_20], %get3A_19 {strides = array<i32>} : memref<320000xi32, #tpu.memory_space<vmem>>, vector<320000xi32>,
    %get3A_22 = arith.constant 1 : index
    %get3A_23 = arith.constant 0 : index
    %get3A_24 = vector.load %arg1[%get3A_22, %get3A_23] : memref<2x320000xi32, #tpu.memory_space<vmem>>, vector<1x320000xi32>
    %get3A_25 = vector.shape_cast %get3A_24 : vector<1x320000xi32> to vector<320000xi32>
    %swap3A_26 = arith.constant 0 : index
    %swap3A_27 = vector.load %arg7[%swap3A_26] : memref<320000xi32, #tpu.memory_space<vmem>>, vector<320000xi32>
    tpu.vector_store %arg7[%swap3A_26], %get3A_25 {strides = array<i32>} : memref<320000xi32, #tpu.memory_space<vmem>>, vector<320000xi32>,
    return
  }
}

</mosaic_0001>

<sc_bundles>
// kernel: kernel.5.cloned.1.call-start
scs
__scs_entry_jumppad:
0x0: {  	(pc) =	sbr.rel $0x88, $3  }
0x1: {  	(tag) =	ssettag $0x0;
	lr =	simm.s32 $0x1  }
0x2: {  	[smem:$0x3F9C] =	sst lr;
	_ =	strace $0xD0000000  }
0x3: {  	_ = 	snop  }
0x4: {  	_ = 	snop  }
0x5: {  	_ = 	snop  }
0x6: {  	_ = 	snop  }
0x7: {  	_ = 	snop  }
__scs_overlays_trampoline_lowered:
0x8: {  	[smem:$0x3FAB] =	sst s0  }
0x9: {  	[smem:$0x3FAC] =	sst s1  }
0xa: {  	[smem:$0x3FAD] =	sst s2  }
0xb: {  	[smem:$0x3FAE] =	sst s3  }
0xc: {  	[smem:$0x3FAF] =	sst s4  }
0xd: {  	[smem:$0x3FB0] =	sst s5  }
0xe: {  	[smem:$0x3FB1] =	sst s6  }
0xf: {  	[smem:$0x3FB2] =	sst s7  }
0x10: {  	[smem:$0x3FB3] =	sst s8  }
0x11: {  	[smem:$0x3FB4] =	sst s9;
	s0 =	simm.s32 @!p0 $0x0  }
0x12: {  	s1 =	sld [smem:$0x3F9A];
	s0 =	simm.s32 @p0 $0x1  }
0x13: {  	[smem:$0x3FB5] =	sst s0;
	s0 =	simm.s32 @!p1 $0x0  }
0x14: {  	s2 =	sld [smem:$0x3F99];
	s0 =	simm.s32 @p1 $0x1  }
0x15: {  	[smem:$0x3FB6] =	sst s0;
	s0 =	simm.s32 @!p2 $0x0  }
0x16: {  	s3 =	sld [smem:$0x3FDB];
	s0 =	simm.s32 @p2 $0x1  }
0x17: {  	s4 =	simm.s32 $0x1BF5;
	[smem:$0x3FB8] =	sst s0  }
0x18: {  	s0 =	sld [smem:$0x3F9B];
	_ =	swait.ge [sflag:s4], $0x0  }
0x19: {  	s7 =	sld [smem:$0x3F9C]  }
0x1a: {  	s8 =	sadd.s32 $0xFFFFE003, lr  }
0x1b: {  	s9 =	sadd.s32 $0xFFFFFEF7, lr;
	s5 =	simm.s32 $0xFFFFFFFF;
	p2 =	slt.u32 s8, $0xFFFFF086  }
0x1c: {  	p1 =	slt.u32 s9, $0xF7A;
	s5 =	simm.s32 @!p2 $0x0  }
0x1d: {  	s5 =	simm.s32 @p1 $0x1;
	p0 =	seq.s32 s7, s2  }
0x1e: {  	s7 =	smul.u32 @!p0 $0xF7A, s2;
	p2 =	seq.s32 @!p0 s5, $0x0  }
0x1f: {  	s9 =	smul.u32 $0xF7A, s1;
	s8 =	simm.s32 @!p0 $0x1BF5;
	p2 =	por !p2, p0  }
0x20: {  	[sflag:s8] =	ssyncset.s32 @!p0 $0xFFFFF086;
	s6 =	sadd.s32 @!p0 s3, s7;
	s7 =	simm.s32 @!p0 $0x108  }
0x21: {  	s3 =	sadd.s32 s3, s9;
	s6 =	sadd.s32 @!p0 $0x88, s6;
	s7 =	simm.s32 @p2 $0x1082  }
0x22: {  	[simem:s7], [sflag:s8] =	dma.local @!p0 [hbm:s6], $0xF7A  }
0x23: {  	s9 =	sor.u32 $0xD0000000, s2;
	s6 =	simm.s32 $0x108;
	_ =	swait.ge @!p0 [sflag:s8], $0x0  }
0x24: {  	s3 =	sadd.s32 $0x88, s3;
	s6 =	simm.s32 @!p1 $0x1082;
	[sflag:s4] =	ssyncset.s32 $0xFFFFF086  }
0x25: {  	[simem:s6], [sflag:s4] =	dma.local [hbm:s3], $0xF7A  }
0x26: {  	[smem:$0x3F9C] =	sst s1;
	(tag) =	ssettag s2;
	_ =	strace s9  }
0x27: {  	s1 =	sld [smem:$0x3FAC]  }
0x28: {  	s2 =	sld [smem:$0x3FAD]  }
0x29: {  	s4 =	sld [smem:$0x3FAF]  }
0x2a: {  	p0 =	seq.s32 s5, $0x0;
	s5 =	sld [smem:$0x3FB0]  }
0x2b: {  	s6 =	sld [smem:$0x3FB1]  }
0x2c: {  	s7 =	sld [smem:$0x3FB2]  }
0x2d: {  	s3 =	simm.s32 $0x108;
	s8 =	sld [smem:$0x3FB3]  }
0x2e: {  	s3 =	simm.s32 @!p0 $0x1082;
	s9 =	sld [smem:$0x3FB4]  }
0x2f: {  	lr =	sadd.s32 s0, s3;
	s0 =	sld [smem:$0x3FAB]  }
0x30: {  	s3 =	sld [smem:$0x3FAE]  }
0x31: {  	[smem:$0x3FB7] =	sst s10  }
0x32: {  	s10 =	sld [smem:$0x3FB5];
	_ =	sdelay $0x3  }
0x33: {  	p0 =	seq.s32 s10, $0x1;
	s10 =	sld [smem:$0x3FB7];
	_ =	sdelay $0x3  }
0x34: {  	[smem:$0x3FB7] =	sst s10  }
0x35: {  	s10 =	sld [smem:$0x3FB6];
	_ =	sdelay $0x3  }
0x36: {  	p1 =	seq.s32 s10, $0x1;
	s10 =	sld [smem:$0x3FB7];
	_ =	sdelay $0x3  }
0x37: {  	[smem:$0x3FB7] =	sst s10  }
0x38: {  	s10 =	sld [smem:$0x3FB8]  }
0x39: {  	_ = 	snop;
	(pc) =	sbr.ind lr, $3  }
0x3a: {  	_ = 	snop  }
0x3b: {  	_ = 	snop  }
0x3c: {  	p2 =	seq.s32 s10, $0x1;
	s10 =	sld [smem:$0x3FB7]  }
0x3d: {  	_ =	shalt  }
0x3e: {  	_ =	shalt  }
0x3f: {  	_ =	shalt  }
0x40: {  	_ =	shalt  }
0x41: {  	_ =	shalt  }
0x42: {  	_ =	shalt  }
0x43: {  	_ =	shalt  }
0x44: {  	_ =	shalt  }
0x45: {  	_ =	shalt  }
0x46: {  	_ =	shalt  }
0x47: {  	_ =	shalt  }
0x48: {  	_ =	shalt  }
0x49: {  	_ =	shalt  }
0x4a: {  	_ =	shalt  }
0x4b: {  	_ =	shalt  }
0x4c: {  	_ =	shalt  }
0x4d: {  	_ =	shalt  }
0x4e: {  	_ =	shalt  }
0x4f: {  	_ =	shalt  }
0x50: {  	_ =	shalt  }
0x51: {  	_ =	shalt  }
0x52: {  	_ =	shalt  }
0x53: {  	_ =	shalt  }
0x54: {  	_ =	shalt  }
0x55: {  	_ =	shalt  }
0x56: {  	_ =	shalt  }
0x57: {  	_ =	shalt  }
0x58: {  	_ =	shalt  }
0x59: {  	_ =	shalt  }
0x5a: {  	_ =	shalt  }
0x5b: {  	_ =	shalt  }
0x5c: {  	_ =	shalt  }
0x5d: {  	_ =	shalt  }
0x5e: {  	_ =	shalt  }
0x5f: {  	_ =	shalt  }
0x60: {  	_ =	shalt  }
0x61: {  	_ =	shalt  }
0x62: {  	_ =	shalt  }
0x63: {  	_ =	shalt  }
0x64: {  	_ =	shalt  }
0x65: {  	_ =	shalt  }
0x66: {  	_ =	shalt  }
0x67: {  	_ =	shalt  }
0x68: {  	_ =	shalt  }
0x69: {  	_ =	shalt  }
0x6a: {  	_ =	shalt  }
0x6b: {  	_ =	shalt  }
0x6c: {  	_ =	shalt  }
0x6d: {  	_ =	shalt  }
0x6e: {  	_ =	shalt  }
0x6f: {  	_ =	shalt  }
0x70: {  	_ =	shalt  }
0x71: {  	_ =	shalt  }
0x72: {  	_ =	shalt  }
0x73: {  	_ =	shalt  }
0x74: {  	_ =	shalt  }
0x75: {  	_ =	shalt  }
0x76: {  	_ =	shalt  }
0x77: {  	_ =	shalt  }
0x78: {  	_ =	shalt  }
0x79: {  	_ =	shalt  }
0x7a: {  	_ =	shalt  }
0x7b: {  	_ =	shalt  }
0x7c: {  	_ =	shalt  }
0x7d: {  	_ =	shalt  }
0x7e: {  	_ =	shalt  }
0x7f: {  	_ =	shalt  }
0x80: {  	_ =	shalt  }
0x81: {  	_ =	shalt  }
0x82: {  	_ =	shalt  }
0x83: {  	_ =	shalt  }
0x84: {  	_ =	shalt  }
0x85: {  	_ =	shalt  }
0x86: {  	_ =	shalt  }
0x87: {  	_ =	shalt  }
.Lfunc_end0:
.L_simem_size_0:
called_computation_lowered:
.L_overlay_start_0:
0x88: {  	s2 =	sld [smem:$0x3FD9]  }
0x89: {  	s3 =	sld [smem:$0x3FFE];
	_ =	sdelay $0x1  }
0x8a: {  	s1 =	srdreg.scid  }
0x8b: {  	s0 =	sand.u32 $0x1, s1  }
0x8c: {  	s16 =	sshll.u32 s0, $0xA;
	s2 =	sadd.s32 s3, s2  }
0x8d: {  	s2 =	sadd.s32 s2, s16  }
0x8e: {  	[smem:$0x3FC3] =	sst s2  }
0x8f: {  	_ = 	snop  }
0x90: {  	(tm) =	ssettm $0x1  }
0x91: {  	s17 =	sld [smem:$0x3FFB];
	_ =	sdelay $0x3  }
0x92: {  	_ =	strace s17  }
0x93: {  	s2 =	sld [smem:$0x3FFC];
	_ =	sdelay $0x3  }
0x94: {  	_ =	strace s2  }
0x95: {  	s2 =	sld [smem:$0x3FFD];
	_ =	sdelay $0x3  }
0x96: {  	_ =	strace s2  }
0x97: {  	_ =	strace $0x8FFFFFFF  }
0x98: {  	s18 =	sld [smem:$0x3FDB];
	_ =	sdelay $0x1  }
0x99: {  	s19 =	simm.s32 $_scs_section_size  }
0x9a: {  	s4 =	simm.s32 $_size__tile_overlayer_lowered;
	s5 =	simm.s32 $_tile_overlayer_lowered  }
0x9b: {  	s22 =	simm.s32 $0x1BFF;
	s21 =	sshll.u32 s5, $0x1;
	s2 =	sadd.s32 s19, s18  }
0x9c: {  	s6 =	simm.s32 $0x0;
	s20 =	sshll.u32 s4, $0x1;
	s4 =	sadd.s32 s21, s2  }
0x9d: {  	[timem:s6], [sflag:s22] =	dma.local [hbm:s4], s20  }
0x9e: {  	_ =	swait.ge [sflag:s22], s20  }
0x9f: {  	s3 =	ssub.s32 $0x0, s20;
	[sflag:s22] =	ssyncset.done $0x0  }
0xa0: {  	[sflag:s22] =	ssyncadd.s32 s3;
	_ =	sdelay $0x1  }
0xa1: {  	s23 =	simm.s32 $0x1B8B  }
0xa2: {  	_ =	swait.ge [sflag:s23], $0x1  }
0xa3: {  	[sflag:s23] =	ssyncset.done $0x0  }
0xa4: {  	s25 =	simm.s32 $0x1B8E;
	s24 =	sld [smem:$0x3FFE];
	[sflag:s23] =	ssyncadd.s32 $0xFFFFFFFF  }
0xa5: {  	s26 =	simm.s32 $execute0_lowered;
	[smem:$0x3FD2] =	sst s25  }
0xa6: {  	s4 =	sshll.u32 s26, $0x1;
	_ =	strace $0x80000046;
	[dreg:$0x1] =	wrdreg $0xFFFFFFFF  }
0xa7: {  	s28 =	simm.s32 $_size_execute0_lowered;
	s2 =	sadd.s32 s2, s4;
	[dreg:$0x0] =	wrdreg $0x0  }
0xa8: {  	s4 =	sshll.u32 s28, $0x1;
	[dreg:$0x2] =	wrdreg s2  }
0xa9: {  	[dreg:$0x3] =	wrdreg s4  }
0xaa: {  	[dreg:$0x4] =	wrdreg $0xC0  }
0xab: {  	_ =	task [dreg:s6], $0x5FFFF  }
0xac: {  	[dreg:$0x1] =	wrdreg $0xFFFFFFFF  }
0xad: {  	[dreg:$0x0] =	wrdreg $0x60  }
0xae: {  	[dreg:$0x2] =	wrdreg s24  }
0xaf: {  	[dreg:$0x3] =	wrdreg $0x9  }
0xb0: {  	_ =	task.clear_ibuf [dreg:s6], $0x4FFFF;
	_ =	strace $0x90000046  }
0xb1: {  	s29 =	simm.s32 $0x9;
	_ =	strace $0x80000048  }
0xb2: {  	_ =	swait.ge [sflag:s29], $0x1  }
0xb3: {  	[sflag:s29] =	ssyncadd.s32 $0xFFFFFFFF  }
0xb4: {  	_ =	strace $0x90000048  }
0xb5: {  	_ =	sfence  }
0xb6: {  	s30 =	sld [smem:$0x0];
	_ =	sdelay $0x2  }
0xb7: {  	s31 =	sshll.u32 s1, $0xD;
	s1 =	sshrl.u32 s1, $0x2  }
0xb8: {  	s3 =	sand.u32 $0x4000, s31;
	s1 =	sadd.s32 s1, s30  }
0xb9: {  	s0 =	sor.u32 s3, s0;
	s1 =	sshll.u32 s1, $0x11  }
0xba: {  	s0 =	sor.u32 s1, s0  }
0xbb: {  	s0 =	sadd.s32 $0x8F2B, s0  }
0xbc: {  	[sflag:s0] =	ssyncadd.remote.s32 $0x1  }
0xbd: {  	_ =	sfence.sel $0xFFFF  }
0xbe: {  	[dreg:$0x0] =	wrdreg $0xFFFFFFFF;
	(pc) =	sbr.abs _section_cstart, $3  }
0xbf: {  	[dreg:$0x1] =	wrdreg $0xFFFFFFFF  }
0xc0: {  	_ =	task.clear_ibuf [dreg:s6], $0x2FFFF;
	_ =	strace $0x9FFFFFFF  }
0xc1: {  	(tm) =	ssettm $0x7FFFFFFF  }
tec
execute0_lowered:
.L_overlay_start_1:
0x0: {  	(tag) =	ssettag $0x1  }
0x1: {  	s0 =	srdreg.scid;
	s4 =	rddreg [dreg:$0x0]  }
0x2: {  	s1 =	stileid.u32;
	s2 =	simm.s32 $0x0;
	s17 =	simm.s32 $0x1E200  }
0x3: {  	s18 =	simm.s32 $0x1;
	s20 =	simm.s32 $0x1F200;
	s0 =	sand.u32 $0x1, s0  }
0x4: {  	s21 =	simm.s32 $0x2;
	s22 =	simm.s32 $0x9E00;
	s3 =	sshll.u32 s0, $0x4  }
0x5: {  	s23 =	simm.s32 $0x3;
	s24 =	simm.s32 $0x4;
	s5 =	sor.u32 s1, s3  }
0x6: {  	s25 =	simm.s32 $0x0;
	[smem:$0x7FF] =	sst s2;
	s6 =	smul.u32 $0x2780, s5  }
0x7: {  	s12 =	sadd.s32 $0x1800, s4;
	s0 =	ssub.s32 $0x2, s0;
	s5 =	smul.u32 $0x2710, s5  }
0x8: {  	s13 =	sadd.s32 $0xB600, s4;
	_ =	strace $0x80000047;
	s31 =	sshrl.u32 s0, $0x1  }
0x9: {  	s3 =	sadd.s32 $0x15400, s4;
	s0 =	ssub.s32 s0, s31;
	s11 =	sshrl.u32 s5, $0x3  }
0xa: {  	s14 =	sadd.s32 s6, s4;
	s4 =	sadd.s32 s12, s11;
	s7 =	sadd.s32 $0xFA, s11  }
0xb: {  	s5 =	sadd.s32 s13, s11;
	s9 =	sadd.s32 $0x1F4, s11;
	s15 =	sadd.s32 $0x2EE, s11  }
0xc: {  	s16 =	sadd.s32 $0x3E8, s11;
	s14 =	sadd.s32 $0x16800, s14;
	s6 =	sadd.s32 s12, s7  }
0xd: {  	s7 =	sadd.s32 s13, s7;
	s8 =	sadd.s32 s12, s9;
	s9 =	sadd.s32 s13, s9  }
0xe: {  	s10 =	sadd.s32 s12, s15;
	s11 =	sadd.s32 s13, s15;
	s12 =	sadd.s32 s12, s16  }
0xf: {  	v0 =	vimm.f32 $0.0e+00;
	v1 =	vimm.f32 $1.000000000e+00;
	s13 =	sadd.s32 s13, s16;
	s15 =	smax.u32 s0, $0x1;
	s16 =	simm.s32 $0x1DA00  }
.LBB2_1:
0x10: {  	[tilespmem:s2], [sflag:$0x1] =	stream.linear.gather [hbm4b:s3+s2], $0x9E00, $0x38;
	[tilespmem:$0x1FA00] =	vst v63  }
0x11: {  	s0 =	simm.s32 $0x0  }
0x12: {  	s28 =	sand.u32 $0x1FC00, s2;
	s26 =	sand.u32 $0x40, s0  }
0x13: {  	[tilespmem:s16], [sflag:$0x2] =	stream.linear.gather [hbm4b:s4+s2], $0x7D0, $0x38;
	[tilespmem:$0x1FA00] =	vst v63  }
0x14: {  	s26 =	sor.u32 s26, s28  }
0x15: {  	[tilespmem:s17], [sflag:$0x2] =	stream.linear.gather [hbm4b:s5+s2], $0x7D0, $0x38;
	[tilespmem:$0x1FA00] =	vst v63  }
0x16: {  	[tilespmem:s26+$0x9E30] =	vst v0  }
0x17: {  	[tilespmem:s26+$0x9EB0] =	vst v0  }
0x18: {  	[tilespmem:s26+$0x9F30] =	vst v0  }
0x19: {  	[tilespmem:s26+$0x9FB0] =	vst v0  }
0x1a: {  	[tilespmem:s26+$0x9E00] =	vst v0  }
0x1b: {  	[tilespmem:s26+$0x9E80] =	vst v0  }
0x1c: {  	[tilespmem:s26+$0x9F00] =	vst v0  }
0x1d: {  	p0 =	por $0x0, $0x0;
	s29 =	simm.s32 $0x1;
	[tilespmem:s26+$0x9F80] =	vst v0  }
0x1e: {  	s29 =	simm.s32 @!p0 $0x0;
	[tilespmem:s26+$0x9E10] =	vst v0  }
0x1f: {  	s28 =	sshll.u32 s29, $0x6;
	[tilespmem:s26+$0x9E90] =	vst v0  }
0x20: {  	s28 =	sadd.s32 $0x0, s28;
	[tilespmem:s26+$0x9F10] =	vst v0  }
0x21: {  	s29 =	sadd.s32 $0x30, s28;
	[tilespmem:s26+$0x9F90] =	vst v0  }
0x22: {  	s29 =	sor.u32 $0x200, s29;
	[tilespmem:s26+$0x9E20] =	vst v0  }
0x23: {  	[tilespmem:s29+$0x9E00] =	vst v0;
	s29 =	sor.u32 $0x200, s28  }
0x24: {  	[tilespmem:s29+$0x9E00] =	vst v0;
	s29 =	sadd.s32 $0x10, s28  }
0x25: {  	[tilespmem:s26+$0x9EA0] =	vst v0;
	s28 =	sadd.s32 $0x20, s28;
	s29 =	sor.u32 $0x200, s29  }
0x26: {  	[tilespmem:s29+$0x9E00] =	vst v0;
	s29 =	sor.u32 $0x200, s28;
	s28 =	simm.s32 $0x0  }
.LBB2_2:
0x27: {  	s0 =	sadd.s32 $0x40, s0;
	[tilespmem:s26+$0x9F20] =	vst v0;
	s28 =	sadd.s32 $0x200, s28;
	p0 =	por !p0, !p0  }
0x28: {  	s1 =	simm.s32 $0x1;
	s30 =	sand.u32 $0x40, s0;
	s31 =	sand.u32 $0x1FC00, s28;
	[tilespmem:s26+$0x9FA0] =	vst v0  }
0x29: {  	s1 =	simm.s32 @!p0 $0x0;
	p1 =	slt.u32 s0, $0x26C0;
	s26 =	sor.u32 s30, s31;
	[tilespmem:s29+$0x9E00] =	vst v0  }
0x2a: {  	s1 =	sshll.u32 s1, $0x6;
	[tilespmem:s26+$0x9E30] =	vst v0  }
0x2b: {  	s1 =	sadd.s32 s1, s28;
	[tilespmem:s26+$0x9EB0] =	vst v0  }
0x2c: {  	s29 =	sadd.s32 $0x10, s1;
	s30 =	sadd.s32 $0x20, s1;
	s31 =	sadd.s32 $0x30, s1;
	[tilespmem:s26+$0x9F30] =	vst v0  }
0x2d: {  	s19 =	sor.u32 $0x200, s29;
	s29 =	sor.u32 $0x200, s30;
	s30 =	sor.u32 $0x200, s31;
	[tilespmem:s26+$0x9FB0] =	vst v0  }
0x2e: {  	s1 =	sor.u32 $0x200, s1;
	[tilespmem:s30+$0x9E00] =	vst v0  }
0x2f: {  	[tilespmem:s26+$0x9E00] =	vst v0  }
0x30: {  	[tilespmem:s26+$0x9E80] =	vst v0  }
0x31: {  	[tilespmem:s26+$0x9F00] =	vst v0  }
0x32: {  	[tilespmem:s26+$0x9F80] =	vst v0  }
0x33: {  	[tilespmem:s1+$0x9E00] =	vst v0  }
0x34: {  	[tilespmem:s26+$0x9E10] =	vst v0  }
0x35: {  	[tilespmem:s26+$0x9E90] =	vst v0  }
.Ltmp0:
0x36: {  	[tilespmem:s26+$0x9F10] =	vst v0;
	(pc) =	sbr.rel @p1 .LBB2_2-.Ltmp0, $4  }
0x37: {  	[tilespmem:s26+$0x9F90] =	vst v0  }
0x38: {  	[tilespmem:s19+$0x9E00] =	vst v0  }
0x39: {  	[tilespmem:s26+$0x9E20] =	vst v0  }
0x3a: {  	[tilespmem:s26+$0x9EA0] =	vst v0  }
0x3b: {  	[tilespmem:s26+$0x9F20] =	vst v0  }
0x3c: {  	[tilespmem:s26+$0x9FA0] =	vst v0  }
0x3d: {  	[tilespmem:s29+$0x9E00] =	vst v0  }
0x3e: {  	[tilespmem:$0x1D600] =	vst v0  }
0x3f: {  	[tilespmem:$0x1D680] =	vst v0  }
0x40: {  	[tilespmem:$0x1D700] =	vst v0  }
0x41: {  	[tilespmem:$0x1D780] =	vst v0  }
0x42: {  	[tilespmem:$0x1D800] =	vst v0  }
0x43: {  	_ =	swait.ge [sflag:s18], $0x9E00  }
0x44: {  	[sflag:s18] =	ssyncset.done $0x0  }
0x45: {  	s1 =	simm.s32 $0x1EA00;
	[sflag:s18] =	ssyncadd.s32 $0xFFFF6200  }
0x46: {  	[tilespmem:s1], [sflag:$0x3] =	stream.linear.gather [hbm4b:s6+s2], $0x7D0, $0x38;
	[tilespmem:$0x1FA00] =	vst v63  }
0x47: {  	_ = 	snop  }
0x48: {  	[tilespmem:s20], [sflag:$0x3] =	stream.linear.gather [hbm4b:s7+s2], $0x7D0, $0x38;
	[tilespmem:$0x1FA00] =	vst v63  }
0x49: {  	_ =	swait.ge [sflag:s21], $0x7D0  }
0x4a: {  	[sflag:s21] =	ssyncset.done $0x0  }
0x4b: {  	[sflag:s21] =	ssyncadd.s32 $0xFFFFF830  }
0x4c: {  	_ =	swait.ge [sflag:s21], $0x7D0  }
0x4d: {  	[sflag:s21] =	ssyncset.done $0x0  }
0x4e: {  	s26 =	simm.s32 $0x1DA40;
	[sflag:s21] =	ssyncadd.s32 $0xFFFFF830  }
0x4f: {  	v3 =	vld [tilespmem:s26+$0xFFFFFFD0]  }
0x50: {  	v2 =	vld [tilespmem:s26+$0xFFFFFFC0]  }
0x51: {  	v5 =	vld [tilespmem:s26+$0x20]  }
0x52: {  	v8 =	vld [tilespmem:s26+$0x10]  }
0x53: {  	v4 =	vld [tilespmem:s26+$0x30]  }
0x54: {  	v6 =	vld [tilespmem:s26+$0xFFFFFFE0]  }
0x55: {  	s28 =	simm.s32 $0x1E240;
	v10 =	vld [tilespmem:s26+$0x0]  }
0x56: {  	v11 =	vld [tilespmem:s28+$0xFFFFFFC0];
	v9 =	vand.u32 $0x7F, v2;
	v7 =	vshll.u32 v2, $0x2;
	v13 =	vand.u32 $0x7F, v5  }
0x57: {  	v15 =	vld [tilespmem:s26+$0xFFFFFFF0];
	v5 =	vshll.u32 v5, $0x2;
	v14 =	vshll.u32 v8, $0x2;
	v8 =	vand.u32 $0x7F, v8  }
0x58: {  	v16 =	vld [tilespmem:s28+$0x20];
	v19 =	vand.u32 $0x7F, v3;
	v12 =	vand.u32 $0xFFFFFE00, v7;
	v7 =	vshll.u32 v4, $0x2  }
0x59: {  	v17 =	vld [tilespmem:s28+$0xFFFFFFD0];
	v4 =	vand.u32 $0x7F, v4;
	v5 =	vand.u32 $0xFFFFFE00, v5;
	v7 =	vand.u32 $0xFFFFFE00, v7  }
0x5a: {  	v13 =	vor.u32 v13, v5;
	v5 =	vld [tilespmem:s28+$0x30];
	v7 =	vor.u32 v4, v7;
	v4 =	vand.u32 $0xFFFFFE00, v14  }
0x5b: {  	v20 =	vld [tilespmem:s28+$0x0];
	v14 =	vor.u32 v9, v12;
	v12 =	vshll.u32 v6, $0x2;
	v6 =	vand.u32 $0x7F, v6  }
0x5c: {  	v18 =	vld [tilespmem:s28+$0x10];
	v9 =	vor.u32 v8, v4;
	v4 =	vshll.u32 v10, $0x2;
	v8 =	vshll.u32 v3, $0x2  }
0x5d: {  	v24 =	vld [tilespmem:s28+$0xFFFFFFF0];
	v12 =	vand.u32 $0xFFFFFE00, v12;
	v10 =	vand.u32 $0x7F, v10;
	v8 =	vand.u32 $0xFFFFFE00, v8  }
0x5e: {  	v2 =	vld [tilespmem:s28+$0xFFFFFFE0];
	v4 =	vand.u32 $0xFFFFFE00, v4;
	v6 =	vor.u32 v6, v12;
	v12 =	vshll.u32 v16, $0x3  }
0x5f: {  	v3 =	vor.u32 v10, v4;
	v10 =	vor.u32 v19, v8;
	v8 =	vld.idx.msk [tilespmem:v13+s2+$0x0], $0xffff;
	v4 =	vshll.u32 v5, $0x3  }
0x60: {  	v16 =	vand.u32 $0x7F, v16;
	v5 =	vand.u32 $0x7F, v5;
	v21 =	vld.idx.msk [tilespmem:v7+s2+$0x0], $0xffff;
	v4 =	vand.u32 $0xFFFFFC00, v4  }
0x61: {  	v12 =	vand.u32 $0xFFFFFC00, v12;
	v19 =	vshll.u32 v11, $0x3;
	v23 =	vld.idx.msk [tilespmem:v14+s2+$0x0], $0xffff;
	v5 =	vor.u32 v5, v4  }
0x62: {  	v11 =	vand.u32 $0x7F, v11;
	v22 =	vld.idx.msk [tilespmem:v9+s2+$0x0], $0xffff;
	v4 =	vor.u32 v16, v12;
	v12 =	vand.u32 $0xFFFFFC00, v19  }
0x63: {  	v12 =	vor.u32 v11, v12;
	v19 =	vld.idx.msk [tilespmem:v6+s2+$0x0], $0xffff  }
0x64: {  	v27 =	vor.u32 $0x80, v14;
	v11 =	vshll.u32 v18, $0x3;
	v16 =	vld.idx.msk [tilespmem:v3+s2+$0x0], $0xffff  }
0x65: {  	v25 =	vor.u32 $0x80, v7;
	v18 =	vand.u32 $0x7F, v18;
	v26 =	vld.idx.msk [tilespmem:v10+s2+$0x0], $0xffff;
	v11 =	vand.u32 $0xFFFFFC00, v11  }
0x66: {  	v28 =	vshll.u32 v20, $0x3;
	v20 =	vand.u32 $0x7F, v20;
	v18 =	vor.u32 v18, v11;
	[tilespmem:v5+s22+$0x0] =	vst.idx.add.f32.msk $0xffff, v21  }
0x67: {  	v29 =	vor.u32 $0x80, v13;
	v11 =	vand.u32 $0xFFFFFC00, v28;
	v21 =	vshll.u32 v17, $0x3;
	[tilespmem:v4+s22+$0x0] =	vst.idx.add.f32.msk $0xffff, v8  }
0x68: {  	v17 =	vand.u32 $0x7F, v17;
	v8 =	vor.u32 v20, v11;
	v21 =	vand.u32 $0xFFFFFC00, v21;
	[tilespmem:v12+s22+$0x0] =	vst.idx.add.f32.msk $0xffff, v23  }
0x69: {  	v23 =	vor.u32 $0x80, v12;
	v11 =	vor.u32 v17, v21;
	v17 =	vld.idx.msk [tilespmem:v27+s2+$0x0], $0xffff  }
0x6a: {  	v20 =	vld.idx.msk [tilespmem:v25+s2+$0x0], $0xffff;
	v21 =	vor.u32 $0x80, v5  }
0x6b: {  	[tilespmem:v18+s22+$0x0] =	vst.idx.add.f32.msk $0xffff, v22;
	v22 =	vshll.u32 v15, $0x2  }
0x6c: {  	v25 =	vor.u32 $0x100, v14;
	v27 =	vld.idx.msk [tilespmem:v29+s2+$0x0], $0xffff;
	v15 =	vand.u32 $0x7F, v15;
	v22 =	vand.u32 $0xFFFFFE00, v22  }
0x6d: {  	[tilespmem:v8+s22+$0x0] =	vst.idx.add.f32.msk $0xffff, v16;
	v16 =	vor.u32 v15, v22;
	v15 =	vor.u32 $0x80, v4  }
0x6e: {  	[tilespmem:v23+s22+$0x0] =	vst.idx.add.f32.msk $0xffff, v17;
	v17 =	vor.u32 $0x100, v7  }
0x6f: {  	[tilespmem:v21+s22+$0x0] =	vst.idx.add.f32.msk $0xffff, v20;
	v20 =	vor.u32 $0x80, v9  }
0x70: {  	v28 =	vor.u32 $0x80, v3;
	[tilespmem:v11+s22+$0x0] =	vst.idx.add.f32.msk $0xffff, v26  }
0x71: {  	v21 =	vld.idx.msk [tilespmem:v25+s2+$0x0], $0xffff;
	v25 =	vshll.u32 v24, $0x3  }
0x72: {  	v22 =	vor.u32 $0x100, v13;
	v24 =	vand.u32 $0x7F, v24;
	v25 =	vand.u32 $0xFFFFFC00, v25;
	[tilespmem:v15+s22+$0x0] =	vst.idx.add.f32.msk $0xffff, v27  }
0x73: {  	v29 =	vor.u32 $0x80, v10;
	v15 =	vor.u32 v24, v25;
	v24 =	vld.idx.msk [tilespmem:v17+s2+$0x0], $0xffff  }
0x74: {  	v27 =	vld.idx.msk [tilespmem:v20+s2+$0x0], $0xffff;
	v20 =	vor.u32 $0x100, v5  }
0x75: {  	v23 =	vld.idx.msk [tilespmem:v28+s2+$0x0], $0xffff;
	v26 =	vor.u32 $0x80, v8  }
0x76: {  	v28 =	vld.idx.msk [tilespmem:v16+s2+$0x0], $0xffff  }
0x77: {  	v31 =	vor.u32 $0x100, v4;
	v22 =	vld.idx.msk [tilespmem:v22+s2+$0x0], $0xffff  }
0x78: {  	v30 =	vor.u32 $0x80, v18;
	v29 =	vld.idx.msk [tilespmem:v29+s2+$0x0], $0xffff  }
0x79: {  	[tilespmem:v20+s22+$0x0] =	vst.idx.add.f32.msk $0xffff, v24;
	v20 =	vor.u32 $0x100, v9  }
0x7a: {  	[tilespmem:v26+s22+$0x0] =	vst.idx.add.f32.msk $0xffff, v23  }
0x7b: {  	v25 =	vor.u32 $0x100, v3;
	v17 =	vshll.u32 v2, $0x3;
	[tilespmem:v15+s22+$0x0] =	vst.idx.add.f32.msk $0xffff, v28  }
0x7c: {  	s0 =	simm.s32 $0x0;
	v26 =	vor.u32 $0x80, v16;
	v23 =	vor.u32 $0x100, v12;
	v17 =	vand.u32 $0xFFFFFC00, v17;
	[tilespmem:v31+s22+$0x0] =	vst.idx.add.f32.msk $0xffff, v22  }
0x7d: {  	s30 =	simm.s32 $0x1E980;
	s31 =	simm.s32 $0x1E180;
	s29 =	simm.s32 $0x770;
	v28 =	vor.u32 $0x80, v6;
	[tilespmem:v30+s22+$0x0] =	vst.idx.add.f32.msk $0xffff, v27;
	v30 =	vor.u32 $0x80, v11;
	v27 =	vor.u32 $0x100, v10  }
.LBB2_4:
0x7e: {  	s0 =	sadd.s32 $0x80, s0;
	v31 =	vld.idx.msk [tilespmem:v20+s2+$0x0], $0xffff;
	s26 =	sadd.s32 $0x80, s26;
	s28 =	sadd.s32 $0x80, s28  }
0x7f: {  	v20 =	vld [tilespmem:s26+$0xFFFFFFD0];
	p0 =	slt.u32 s0, $0x700  }
0x80: {  	v22 =	vld [tilespmem:s26+$0xFFFFFFE0]  }
0x81: {  	v2 =	vand.u32 $0x7F, v2;
	[tilespmem:v23+s22+$0x0] =	vst.idx.add.f32.msk $0xffff, v21  }
0x82: {  	v32 =	vor.u32 v2, v17;
	v21 =	vld [tilespmem:s26+$0x0]  }
0x83: {  	v23 =	vld [tilespmem:s26+$0x10]  }
0x84: {  	v24 =	vld [tilespmem:s26+$0x30]  }
0x85: {  	v2 =	vor.u32 $0x180, v14;
	v33 =	vld [tilespmem:s26+$0xFFFFFFC0]  }
0x86: {  	[tilespmem:v30+s22+$0x0] =	vst.idx.add.f32.msk $0xffff, v29  }
0x87: {  	[tilespmem:v32+s22+$0x0] =	vst.idx.add.f32.msk $0xffff, v19  }
0x88: {  	v17 =	vor.u32 $0x100, v18;
	v14 =	vld [tilespmem:s28+$0xFFFFFFC0]  }
0x89: {  	v19 =	vld.idx.msk [tilespmem:v28+s2+$0x0], $0xffff  }
0x8a: {  	v13 =	vor.u32 $0x180, v13;
	v28 =	vld.idx.msk [tilespmem:v2+s2+$0x0], $0xffff  }
0x8b: {  	v29 =	vor.u32 $0x80, v32;
	v25 =	vld.idx.msk [tilespmem:v25+s2+$0x0], $0xffff  }
0x8c: {  	v30 =	vor.u32 $0x180, v12;
	v26 =	vld.idx.msk [tilespmem:v26+s2+$0x0], $0xffff  }
0x8d: {  	v34 =	vor.u32 $0x80, v15;
	[tilespmem:v17+s22+$0x0] =	vst.idx.add.f32.msk $0xffff, v31  }
0x8e: {  	v12 =	vor.u32 $0x200, v12;
	v2 =	vld [tilespmem:s28+$0xFFFFFFE0]  }
0x8f: {  	v13 =	vld.idx.msk [tilespmem:v13+s2+$0x0], $0xffff  }
0x90: {  	[tilespmem:v29+s22+$0x0] =	vst.idx.add.f32.msk $0xffff, v19;
	v19 =	vor.u32 $0x100, v16  }
0x91: {  	[tilespmem:v30+s22+$0x0] =	vst.idx.add.f32.msk $0xffff, v28;
	v28 =	vor.u32 $0x100, v6  }
0x92: {  	v7 =	vor.u32 $0x180, v7;
	[tilespmem:v34+s22+$0x0] =	vst.idx.add.f32.msk $0xffff, v26  }
0x93: {  	v9 =	vor.u32 $0x180, v9;
	v17 =	vshll.u32 v2, $0x3;
	[tilespmem:v12+s22+$0x0] =	vst.idx.add.f32.msk $0xffff, v1  }
0x94: {  	v17 =	vand.u32 $0xFFFFFC00, v17;
	v12 =	vld.idx.msk [tilespmem:v27+s2+$0x0], $0xffff  }
0x95: {  	v26 =	vor.u32 $0x100, v11;
	v19 =	vld.idx.msk [tilespmem:v19+s2+$0x0], $0xffff  }
0x96: {  	v27 =	vld.idx.msk [tilespmem:v28+s2+$0x0], $0xffff  }
0x97: {  	v28 =	vor.u32 $0x100, v15;
	v7 =	vld.idx.msk [tilespmem:v7+s2+$0x0], $0xffff  }
0x98: {  	v29 =	vor.u32 $0x100, v32;
	v9 =	vld.idx.msk [tilespmem:v9+s2+$0x0], $0xffff  }
0x99: {  	v10 =	vor.u32 $0x180, v10;
	v30 =	vld [tilespmem:s26+$0x20]  }
0x9a: {  	[tilespmem:v26+s22+$0x0] =	vst.idx.add.f32.msk $0xffff, v12;
	v12 =	vor.u32 $0x180, v18  }
0x9b: {  	v18 =	vor.u32 $0x200, v18;
	v26 =	vld [tilespmem:s26+$0xFFFFFFF0]  }
0x9c: {  	v16 =	vor.u32 $0x180, v16;
	[tilespmem:v28+s22+$0x0] =	vst.idx.add.f32.msk $0xffff, v19  }
0x9d: {  	v6 =	vor.u32 $0x180, v6;
	[tilespmem:v29+s22+$0x0] =	vst.idx.add.f32.msk $0xffff, v27  }
0x9e: {  	v19 =	vor.u32 $0x100, v8;
	v10 =	vld.idx.msk [tilespmem:v10+s2+$0x0], $0xffff  }
0x9f: {  	v27 =	vor.u32 $0x180, v11;
	[tilespmem:v12+s22+$0x0] =	vst.idx.add.f32.msk $0xffff, v9  }
0xa0: {  	v3 =	vor.u32 $0x180, v3;
	[tilespmem:v18+s22+$0x0] =	vst.idx.add.f32.msk $0xffff, v1  }
0xa1: {  	v12 =	vor.u32 $0x180, v4;
	v9 =	vld.idx.msk [tilespmem:v16+s2+$0x0], $0xffff  }
0xa2: {  	v16 =	vor.u32 $0x180, v5;
	v6 =	vld.idx.msk [tilespmem:v6+s2+$0x0], $0xffff  }
0xa3: {  	v5 =	vor.u32 $0x200, v5;
	[tilespmem:v19+s22+$0x0] =	vst.idx.add.f32.msk $0xffff, v25  }
0xa4: {  	[tilespmem:v27+s22+$0x0] =	vst.idx.add.f32.msk $0xffff, v10;
	v10 =	vor.u32 $0x180, v15  }
0xa5: {  	v18 =	vor.u32 $0x180, v32;
	v3 =	vld.idx.msk [tilespmem:v3+s2+$0x0], $0xffff  }
0xa6: {  	v19 =	vor.u32 $0x180, v8;
	[tilespmem:v12+s22+$0x0] =	vst.idx.add.f32.msk $0xffff, v13  }
0xa7: {  	v4 =	vor.u32 $0x200, v4;
	[tilespmem:v16+s22+$0x0] =	vst.idx.add.f32.msk $0xffff, v7  }
0xa8: {  	v7 =	vor.u32 $0x200, v11;
	[tilespmem:v5+s22+$0x0] =	vst.idx.add.f32.msk $0xffff, v1  }
0xa9: {  	v5 =	vor.u32 $0x200, v32;
	[tilespmem:v10+s22+$0x0] =	vst.idx.add.f32.msk $0xffff, v9  }
0xaa: {  	v8 =	vor.u32 $0x200, v8;
	[tilespmem:v18+s22+$0x0] =	vst.idx.add.f32.msk $0xffff, v6;
	v6 =	vor.u32 $0x200, v15  }
0xab: {  	v9 =	vand.u32 $0x7F, v14;
	v10 =	vshll.u32 v14, $0x3;
	[tilespmem:v19+s22+$0x0] =	vst.idx.add.f32.msk $0xffff, v3  }
0xac: {  	v11 =	vshll.u32 v33, $0x2;
	v10 =	vand.u32 $0xFFFFFC00, v10;
	v3 =	vand.u32 $0x7F, v33;
	[tilespmem:v4+s22+$0x0] =	vst.idx.add.f32.msk $0xffff, v1  }
0xad: {  	v12 =	vor.u32 v9, v10;
	v9 =	vshll.u32 v24, $0x2;
	v4 =	vand.u32 $0xFFFFFE00, v11;
	[tilespmem:v7+s22+$0x0] =	vst.idx.add.f32.msk $0xffff, v1  }
0xae: {  	v10 =	vand.u32 $0x7F, v30;
	v11 =	vand.u32 $0x7F, v24;
	v7 =	vshll.u32 v30, $0x2;
	[tilespmem:v5+s22+$0x0] =	vst.idx.add.f32.msk $0xffff, v1  }
0xaf: {  	v14 =	vor.u32 v3, v4;
	v3 =	vshll.u32 v23, $0x2;
	v4 =	vand.u32 $0xFFFFFE00, v7;
	[tilespmem:v8+s22+$0x0] =	vst.idx.add.f32.msk $0xffff, v1  }
0xb0: {  	v5 =	vshll.u32 v21, $0x2;
	v3 =	vand.u32 $0xFFFFFE00, v3;
	v7 =	vand.u32 $0xFFFFFE00, v9;
	[tilespmem:v6+s22+$0x0] =	vst.idx.add.f32.msk $0xffff, v1  }
0xb1: {  	v8 =	vand.u32 $0x7F, v23;
	v7 =	vor.u32 v11, v7;
	v6 =	vshll.u32 v26, $0x2;
	v15 =	vld [tilespmem:s28+$0x20]  }
0xb2: {  	v9 =	vshll.u32 v22, $0x2;
	v11 =	vand.u32 $0x7F, v26;
	v13 =	vor.u32 v10, v4;
	v4 =	vld [tilespmem:s28+$0x30]  }
0xb3: {  	v10 =	vshll.u32 v20, $0x2;
	v16 =	vand.u32 $0xFFFFFE00, v9;
	v9 =	vor.u32 v8, v3;
	v23 =	vld [tilespmem:s28+$0xFFFFFFD0]  }
0xb4: {  	v5 =	vand.u32 $0xFFFFFE00, v5;
	v8 =	vand.u32 $0xFFFFFE00, v10;
	v3 =	vand.u32 $0x7F, v22;
	v22 =	vld [tilespmem:s28+$0x0]  }
0xb5: {  	v19 =	vand.u32 $0x7F, v21;
	v10 =	vand.u32 $0x7F, v20;
	v18 =	vand.u32 $0xFFFFFE00, v6;
	v20 =	vld [tilespmem:s28+$0x10]  }
0xb6: {  	v6 =	vor.u32 v3, v16;
	v3 =	vor.u32 v19, v5;
	v16 =	vor.u32 v11, v18;
	v11 =	vld.idx.msk [tilespmem:v7+s2+$0x0], $0xffff  }
0xb7: {  	v10 =	vor.u32 v10, v8;
	v5 =	vshll.u32 v15, $0x3;
	v8 =	vld.idx.msk [tilespmem:v13+s2+$0x0], $0xffff;
	v18 =	vshll.u32 v4, $0x3  }
0xb8: {  	v19 =	vand.u32 $0xFFFFFC00, v5;
	v4 =	vand.u32 $0x7F, v4;
	v21 =	vld.idx.msk [tilespmem:v9+s2+$0x0], $0xffff;
	v5 =	vand.u32 $0xFFFFFC00, v18  }
0xb9: {  	v15 =	vand.u32 $0x7F, v15;
	v24 =	vld.idx.msk [tilespmem:v14+s2+$0x0], $0xffff;
	v18 =	vshll.u32 v22, $0x3;
	v5 =	vor.u32 v4, v5  }
0xba: {  	v27 =	vor.u32 $0x80, v13;
	v4 =	vor.u32 v15, v19;
	v25 =	vld [tilespmem:s28+$0xFFFFFFF0];
	v26 =	vshll.u32 v20, $0x3  }
0xbb: {  	v15 =	vand.u32 $0xFFFFFC00, v18;
	v28 =	vld.idx.msk [tilespmem:v3+s2+$0x0], $0xffff;
	v18 =	vand.u32 $0xFFFFFC00, v26;
	v26 =	vor.u32 $0x80, v7  }
0xbc: {  	v29 =	vor.u32 $0x80, v14;
	v19 =	vshll.u32 v23, $0x3;
	v30 =	vld.idx.msk [tilespmem:v10+s2+$0x0], $0xffff  }
0xbd: {  	v32 =	vor.u32 $0x80, v3;
	v31 =	vand.u32 $0xFFFFFC00, v19;
	v20 =	vand.u32 $0x7F, v20;
	v19 =	vld.idx.msk [tilespmem:v6+s2+$0x0], $0xffff  }
0xbe: {  	v18 =	vor.u32 v20, v18;
	[tilespmem:v5+s22+$0x0] =	vst.idx.add.f32.msk $0xffff, v11  }
0xbf: {  	v22 =	vand.u32 $0x7F, v22;
	v20 =	vand.u32 $0x7F, v25;
	v11 =	vshll.u32 v25, $0x3;
	[tilespmem:v4+s22+$0x0] =	vst.idx.add.f32.msk $0xffff, v8  }
0xc0: {  	v23 =	vand.u32 $0x7F, v23;
	v8 =	vor.u32 v22, v15;
	v25 =	vand.u32 $0xFFFFFC00, v11;
	v22 =	vld.idx.msk [tilespmem:v26+s2+$0x0], $0xffff  }
0xc1: {  	v11 =	vor.u32 v23, v31;
	[tilespmem:v12+s22+$0x0] =	vst.idx.add.f32.msk $0xffff, v24;
	v15 =	vor.u32 v20, v25  }
0xc2: {  	v23 =	vor.u32 $0x80, v5;
	v20 =	vld.idx.msk [tilespmem:v29+s2+$0x0], $0xffff  }
0xc3: {  	v31 =	vor.u32 $0x100, v13;
	v24 =	vor.u32 $0x80, v12;
	v29 =	vor.u32 $0x80, v10;
	[tilespmem:v18+s22+$0x0] =	vst.idx.add.f32.msk $0xffff, v21  }
0xc4: {  	v21 =	vor.u32 $0x100, v14;
	v27 =	vld.idx.msk [tilespmem:v27+s2+$0x0], $0xffff  }
0xc5: {  	v25 =	vor.u32 $0x100, v3;
	[tilespmem:v8+s22+$0x0] =	vst.idx.add.f32.msk $0xffff, v28  }
0xc6: {  	v33 =	vor.u32 $0x80, v4;
	v26 =	vor.u32 $0x80, v16;
	[tilespmem:v11+s22+$0x0] =	vst.idx.add.f32.msk $0xffff, v30;
	v30 =	vor.u32 $0x80, v9  }
0xc7: {  	[tilespmem:v23+s22+$0x0] =	vst.idx.add.f32.msk $0xffff, v22  }
0xc8: {  	v28 =	vor.u32 $0x80, v6;
	[tilespmem:v24+s22+$0x0] =	vst.idx.add.f32.msk $0xffff, v20;
	v20 =	vor.u32 $0x100, v7  }
0xc9: {  	v21 =	vld.idx.msk [tilespmem:v21+s2+$0x0], $0xffff  }
0xca: {  	v23 =	vor.u32 $0x80, v8;
	v22 =	vld.idx.msk [tilespmem:v32+s2+$0x0], $0xffff  }
0xcb: {  	v24 =	vld.idx.msk [tilespmem:v16+s2+$0x0], $0xffff  }
0xcc: {  	[tilespmem:v33+s22+$0x0] =	vst.idx.add.f32.msk $0xffff, v27  }
0xcd: {  	v32 =	vor.u32 $0x100, v4;
	v33 =	vld.idx.msk [tilespmem:v20+s2+$0x0], $0xffff  }
0xce: {  	v35 =	vor.u32 $0x100, v5;
	v34 =	vld.idx.msk [tilespmem:v30+s2+$0x0], $0xffff  }
0xcf: {  	v36 =	vor.u32 $0x80, v18;
	v31 =	vld.idx.msk [tilespmem:v31+s2+$0x0], $0xffff  }
0xd0: {  	[tilespmem:v23+s22+$0x0] =	vst.idx.add.f32.msk $0xffff, v22  }
.Ltmp1:
0xd1: {  	v20 =	vor.u32 $0x100, v9;
	v29 =	vld.idx.msk [tilespmem:v29+s2+$0x0], $0xffff;
	(pc) =	sbr.rel @p0 .LBB2_4-.Ltmp1, $4  }
0xd2: {  	[tilespmem:v15+s22+$0x0] =	vst.idx.add.f32.msk $0xffff, v24  }
0xd3: {  	v27 =	vor.u32 $0x100, v10;
	v30 =	vor.u32 $0x80, v11;
	[tilespmem:v35+s22+$0x0] =	vst.idx.add.f32.msk $0xffff, v33  }
0xd4: {  	v23 =	vor.u32 $0x100, v12;
	[tilespmem:v36+s22+$0x0] =	vst.idx.add.f32.msk $0xffff, v34  }
0xd5: {  	[tilespmem:v32+s22+$0x0] =	vst.idx.add.f32.msk $0xffff, v31  }
0xd6: {  	_ =	sdelay $0x3  }
0xd7: {  	v34 =	vld.idx.msk [tilespmem:v20+s2+$0x0], $0xffff  }
0xd8: {  	v14 =	vor.u32 $0x180, v14;
	[tilespmem:v23+s22+$0x0] =	vst.idx.add.f32.msk $0xffff, v21  }
0xd9: {  	[tilespmem:v30+s22+$0x0] =	vst.idx.add.f32.msk $0xffff, v29;
	v35 =	vor.u32 $0x100, v18  }
0xda: {  	v13 =	vor.u32 $0x180, v13;
	v22 =	vld.idx.msk [tilespmem:v25+s2+$0x0], $0xffff  }
0xdb: {  	v24 =	vld.idx.msk [tilespmem:v26+s2+$0x0], $0xffff;
	v39 =	vor.u32 $0x80, v15  }
0xdc: {  	v7 =	vor.u32 $0x180, v7;
	v43 =	vld.idx.msk [tilespmem:v27+s2+$0x0], $0xffff  }
0xdd: {  	v2 =	vand.u32 $0x7F, v2;
	v51 =	vor.u32 $0x100, v8;
	v14 =	vld.idx.msk [tilespmem:v14+s2+$0x0], $0xffff  }
0xde: {  	v2 =	vor.u32 v2, v17;
	[tilespmem:v35+s22+$0x0] =	vst.idx.add.f32.msk $0xffff, v34  }
0xdf: {  	v41 =	vor.u32 $0x100, v16;
	v13 =	vld.idx.msk [tilespmem:v13+s2+$0x0], $0xffff  }
0xe0: {  	v9 =	vor.u32 $0x180, v9;
	[tilespmem:v39+s22+$0x0] =	vst.idx.add.f32.msk $0xffff, v24  }
0xe1: {  	v44 =	vor.u32 $0x100, v11;
	v7 =	vld.idx.msk [tilespmem:v7+s2+$0x0], $0xffff  }
0xe2: {  	v3 =	vor.u32 $0x180, v3;
	[tilespmem:v51+s22+$0x0] =	vst.idx.add.f32.msk $0xffff, v22  }
0xe3: {  	[tilespmem:v2+s22+$0x0] =	vst.idx.add.f32.msk $0xffff, v19  }
0xe4: {  	v10 =	vor.u32 $0x180, v10;
	v17 =	vld.idx.msk [tilespmem:v41+s2+$0x0], $0xffff  }
0xe5: {  	v38 =	vor.u32 $0x180, v12;
	v9 =	vld.idx.msk [tilespmem:v9+s2+$0x0], $0xffff  }
0xe6: {  	v54 =	vor.u32 $0x180, v4;
	[tilespmem:v44+s22+$0x0] =	vst.idx.add.f32.msk $0xffff, v43  }
0xe7: {  	v55 =	vor.u32 $0x180, v5;
	v3 =	vld.idx.msk [tilespmem:v3+s2+$0x0], $0xffff  }
0xe8: {  	v40 =	vor.u32 $0x200, v12;
	v36 =	vld.idx.msk [tilespmem:v28+s2+$0x0], $0xffff  }
0xe9: {  	v45 =	vor.u32 $0x100, v15;
	v10 =	vld.idx.msk [tilespmem:v10+s2+$0x0], $0xffff  }
0xea: {  	v47 =	vor.u32 $0x180, v18;
	[tilespmem:v38+s22+$0x0] =	vst.idx.add.f32.msk $0xffff, v14  }
0xeb: {  	v56 =	vor.u32 $0x200, v5;
	[tilespmem:v54+s22+$0x0] =	vst.idx.add.f32.msk $0xffff, v13  }
0xec: {  	v59 =	vor.u32 $0x180, v8;
	[tilespmem:v55+s22+$0x0] =	vst.idx.add.f32.msk $0xffff, v7  }
0xed: {  	v37 =	vor.u32 $0x80, v2;
	[tilespmem:v40+s22+$0x0] =	vst.idx.add.f32.msk $0xffff, v1  }
0xee: {  	v42 =	vor.u32 $0x100, v6;
	[tilespmem:v45+s22+$0x0] =	vst.idx.add.f32.msk $0xffff, v17  }
0xef: {  	v60 =	vor.u32 $0x200, v4;
	[tilespmem:v47+s22+$0x0] =	vst.idx.add.f32.msk $0xffff, v9  }
0xf0: {  	v48 =	vor.u32 $0x200, v18;
	[tilespmem:v56+s22+$0x0] =	vst.idx.add.f32.msk $0xffff, v1  }
0xf1: {  	v49 =	vor.u32 $0x180, v16;
	[tilespmem:v59+s22+$0x0] =	vst.idx.add.f32.msk $0xffff, v3  }
0xf2: {  	v52 =	vor.u32 $0x180, v11;
	[tilespmem:v37+s22+$0x0] =	vst.idx.add.f32.msk $0xffff, v36  }
0xf3: {  	v46 =	vor.u32 $0x100, v2;
	v14 =	vld.idx.msk [tilespmem:v42+s2+$0x0], $0xffff  }
0xf4: {  	v50 =	vor.u32 $0x180, v6;
	[tilespmem:v60+s22+$0x0] =	vst.idx.add.f32.msk $0xffff, v1  }
0xf5: {  	v62 =	vor.u32 $0x200, v8;
	[tilespmem:v48+s22+$0x0] =	vst.idx.add.f32.msk $0xffff, v1  }
0xf6: {  	v61 =	vor.u32 $0x200, v11;
	v53 =	vld.idx.msk [tilespmem:v49+s2+$0x0], $0xffff  }
0xf7: {  	v57 =	vor.u32 $0x180, v15;
	[tilespmem:v52+s22+$0x0] =	vst.idx.add.f32.msk $0xffff, v10  }
0xf8: {  	v63 =	vor.u32 $0x200, v15;
	[tilespmem:v46+s22+$0x0] =	vst.idx.add.f32.msk $0xffff, v14  }
0xf9: {  	v58 =	vor.u32 $0x180, v2;
	v6 =	vld.idx.msk [tilespmem:v50+s2+$0x0], $0xffff  }
0xfa: {  	v2 =	vor.u32 $0x200, v2;
	[tilespmem:v62+s22+$0x0] =	vst.idx.add.f32.msk $0xffff, v1  }
0xfb: {  	[tilespmem:v61+s22+$0x0] =	vst.idx.add.f32.msk $0xffff, v1  }
0xfc: {  	[tilespmem:v57+s22+$0x0] =	vst.idx.add.f32.msk $0xffff, v53  }
0xfd: {  	[tilespmem:v63+s22+$0x0] =	vst.idx.add.f32.msk $0xffff, v1  }
0xfe: {  	[tilespmem:v58+s22+$0x0] =	vst.idx.add.f32.msk $0xffff, v6  }
0xff: {  	[tilespmem:v2+s22+$0x0] =	vst.idx.add.f32.msk $0xffff, v1  }
.LBB2_6:
0x100: {  	v2 =	vld [tilespmem:s31+$0x0];
	_ =	sdelay $0x4  }
0x101: {  	v3 =	vld [tilespmem:s30+$0x0];
	v4 =	vshll.u32 v2, $0x2  }
0x102: {  	v2 =	vand.u32 $0x7F, v2;
	v4 =	vand.u32 $0xFFFFFE00, v4  }
0x103: {  	v2 =	vor.u32 v2, v4;
	_ =	sdelay $0x2  }
0x104: {  	v59 =	vshll.u32 v3, $0x3  }
0x105: {  	v3 =	vand.u32 $0x7F, v3;
	v4 =	vand.u32 $0xFFFFFC00, v59  }
0x106: {  	v3 =	vor.u32 v3, v4;
	v5 =	vld.idx.msk [tilespmem:v2+s2+$0x0], $0xffff  }
0x107: {  	v60 =	vor.u32 $0x80, v2;
	_ =	sdelay $0x3  }
0x108: {  	[tilespmem:v3+s22+$0x0] =	vst.idx.add.f32.msk $0xffff, v5  }
0x109: {  	v61 =	vor.u32 $0x80, v3;
	v4 =	vld.idx.msk [tilespmem:v60+s2+$0x0], $0xffff  }
0x10a: {  	v6 =	vor.u32 $0x100, v2;
	_ =	sdelay $0x3  }
0x10b: {  	[tilespmem:v61+s22+$0x0] =	vst.idx.add.f32.msk $0xffff, v4  }
0x10c: {  	v62 =	vor.u32 $0x100, v3;
	v4 =	vld.idx.msk [tilespmem:v6+s2+$0x0], $0xffff  }
0x10d: {  	v2 =	vor.u32 $0x180, v2;
	_ =	sdelay $0x3  }
0x10e: {  	[tilespmem:v62+s22+$0x0] =	vst.idx.add.f32.msk $0xffff, v4  }
0x10f: {  	s29 =	sadd.s32 $0x10, s29;
	v63 =	vor.u32 $0x180, v3;
	v2 =	vld.idx.msk [tilespmem:v2+s2+$0x0], $0xffff  }
0x110: {  	p0 =	slt.u32 s29, $0x7C0;
	v3 =	vor.u32 $0x200, v3  }
.Ltmp2:
0x111: {  	_ = 	snop;
	(pc) =	sbr.rel @p0 .LBB2_6-.Ltmp2, $3  }
0x112: {  	_ =	sdelay $0x1  }
0x113: {  	[tilespmem:v63+s22+$0x0] =	vst.idx.add.f32.msk $0xffff, v2  }
0x114: {  	s30 =	sadd.s32 $0x10, s30;
	s31 =	sadd.s32 $0x10, s31;
	[tilespmem:v3+s22+$0x0] =	vst.idx.add.f32.msk $0xffff, v1  }
0x115: {  	[tilespmem:s16], [sflag:$0x2] =	stream.linear.gather [hbm4b:s8+s2], $0x7D0, $0x38;
	[tilespmem:$0x1FA00] =	vst v63  }
0x116: {  	_ = 	snop  }
0x117: {  	[tilespmem:s17], [sflag:$0x2] =	stream.linear.gather [hbm4b:s9+s2], $0x7D0, $0x38;
	[tilespmem:$0x1FA00] =	vst v63  }
0x118: {  	_ =	swait.ge [sflag:s23], $0x7D0  }
0x119: {  	[sflag:s23] =	ssyncset.done $0x0  }
0x11a: {  	[sflag:s23] =	ssyncadd.s32 $0xFFFFF830  }
0x11b: {  	_ =	swait.ge [sflag:s23], $0x7D0  }
0x11c: {  	[sflag:s23] =	ssyncset.done $0x0  }
0x11d: {  	s26 =	simm.s32 $0x1EA40;
	[sflag:s23] =	ssyncadd.s32 $0xFFFFF830  }
0x11e: {  	v3 =	vld [tilespmem:s26+$0xFFFFFFD0]  }
0x11f: {  	v2 =	vld [tilespmem:s26+$0xFFFFFFC0]  }
0x120: {  	v5 =	vld [tilespmem:s26+$0x20]  }
0x121: {  	v8 =	vld [tilespmem:s26+$0x10]  }
0x122: {  	v4 =	vld [tilespmem:s26+$0x30]  }
0x123: {  	v6 =	vld [tilespmem:s26+$0xFFFFFFE0]  }
0x124: {  	s28 =	simm.s32 $0x1F240;
	v10 =	vld [tilespmem:s26+$0x0]  }
0x125: {  	v11 =	vld [tilespmem:s28+$0xFFFFFFC0];
	v9 =	vand.u32 $0x7F, v2;
	v7 =	vshll.u32 v2, $0x2;
	v13 =	vand.u32 $0x7F, v5  }
0x126: {  	v15 =	vld [tilespmem:s26+$0xFFFFFFF0];
	v5 =	vshll.u32 v5, $0x2;
	v14 =	vshll.u32 v8, $0x2;
	v8 =	vand.u32 $0x7F, v8  }
0x127: {  	v16 =	vld [tilespmem:s28+$0x20];
	v19 =	vand.u32 $0x7F, v3;
	v12 =	vand.u32 $0xFFFFFE00, v7;
	v7 =	vshll.u32 v4, $0x2  }
0x128: {  	v17 =	vld [tilespmem:s28+$0xFFFFFFD0];
	v4 =	vand.u32 $0x7F, v4;
	v5 =	vand.u32 $0xFFFFFE00, v5;
	v7 =	vand.u32 $0xFFFFFE00, v7  }
0x129: {  	v13 =	vor.u32 v13, v5;
	v5 =	vld [tilespmem:s28+$0x30];
	v7 =	vor.u32 v4, v7;
	v4 =	vand.u32 $0xFFFFFE00, v14  }
0x12a: {  	v20 =	vld [tilespmem:s28+$0x0];
	v14 =	vor.u32 v9, v12;
	v12 =	vshll.u32 v6, $0x2;
	v6 =	vand.u32 $0x7F, v6  }
0x12b: {  	v18 =	vld [tilespmem:s28+$0x10];
	v9 =	vor.u32 v8, v4;
	v4 =	vshll.u32 v10, $0x2;
	v8 =	vshll.u32 v3, $0x2  }
0x12c: {  	v24 =	vld [tilespmem:s28+$0xFFFFFFF0];
	v12 =	vand.u32 $0xFFFFFE00, v12;
	v10 =	vand.u32 $0x7F, v10;
	v8 =	vand.u32 $0xFFFFFE00, v8  }
0x12d: {  	v2 =	vld [tilespmem:s28+$0xFFFFFFE0];
	v4 =	vand.u32 $0xFFFFFE00, v4;
	v6 =	vor.u32 v6, v12;
	v12 =	vshll.u32 v16, $0x3  }
0x12e: {  	v3 =	vor.u32 v10, v4;
	v10 =	vor.u32 v19, v8;
	v8 =	vld.idx.msk [tilespmem:v13+s2+$0x0], $0xffff;
	v4 =	vshll.u32 v5, $0x3  }
0x12f: {  	v16 =	vand.u32 $0x7F, v16;
	v5 =	vand.u32 $0x7F, v5;
	v21 =	vld.idx.msk [tilespmem:v7+s2+$0x0], $0xffff;
	v4 =	vand.u32 $0xFFFFFC00, v4  }
0x130: {  	v12 =	vand.u32 $0xFFFFFC00, v12;
	v19 =	vshll.u32 v11, $0x3;
	v23 =	vld.idx.msk [tilespmem:v14+s2+$0x0], $0xffff;
	v5 =	vor.u32 v5, v4  }
0x131: {  	v11 =	vand.u32 $0x7F, v11;
	v22 =	vld.idx.msk [tilespmem:v9+s2+$0x0], $0xffff;
	v4 =	vor.u32 v16, v12;
	v12 =	vand.u32 $0xFFFFFC00, v19  }
0x132: {  	v12 =	vor.u32 v11, v12;
	v19 =	vld.idx.msk [tilespmem:v6+s2+$0x0], $0xffff  }
0x133: {  	v27 =	vor.u32 $0x80, v14;
	v11 =	vshll.u32 v18, $0x3;
	v16 =	vld.idx.msk [tilespmem:v3+s2+$0x0], $0xffff  }
0x134: {  	v25 =	vor.u32 $0x80, v7;
	v18 =	vand.u32 $0x7F, v18;
	v26 =	vld.idx.msk [tilespmem:v10+s2+$0x0], $0xffff;
	v11 =	vand.u32 $0xFFFFFC00, v11  }
0x135: {  	v28 =	vshll.u32 v20, $0x3;
	v20 =	vand.u32 $0x7F, v20;
	v18 =	vor.u32 v18, v11;
	[tilespmem:v5+s22+$0x0] =	vst.idx.add.f32.msk $0xffff, v21  }
0x136: {  	v29 =	vor.u32 $0x80, v13;
	v11 =	vand.u32 $0xFFFFFC00, v28;
	v21 =	vshll.u32 v17, $0x3;
	[tilespmem:v4+s22+$0x0] =	vst.idx.add.f32.msk $0xffff, v8  }
0x137: {  	v17 =	vand.u32 $0x7F, v17;
	v8 =	vor.u32 v20, v11;
	v21 =	vand.u32 $0xFFFFFC00, v21;
	[tilespmem:v12+s22+$0x0] =	vst.idx.add.f32.msk $0xffff, v23  }
0x138: {  	v23 =	vor.u32 $0x80, v12;
	v11 =	vor.u32 v17, v21;
	v17 =	vld.idx.msk [tilespmem:v27+s2+$0x0], $0xffff  }
0x139: {  	v20 =	vld.idx.msk [tilespmem:v25+s2+$0x0], $0xffff;
	v21 =	vor.u32 $0x80, v5  }
0x13a: {  	[tilespmem:v18+s22+$0x0] =	vst.idx.add.f32.msk $0xffff, v22;
	v22 =	vshll.u32 v15, $0x2  }
0x13b: {  	v25 =	vor.u32 $0x100, v14;
	v27 =	vld.idx.msk [tilespmem:v29+s2+$0x0], $0xffff;
	v15 =	vand.u32 $0x7F, v15;
	v22 =	vand.u32 $0xFFFFFE00, v22  }
0x13c: {  	[tilespmem:v8+s22+$0x0] =	vst.idx.add.f32.msk $0xffff, v16;
	v16 =	vor.u32 v15, v22;
	v15 =	vor.u32 $0x80, v4  }
0x13d: {  	[tilespmem:v23+s22+$0x0] =	vst.idx.add.f32.msk $0xffff, v17;
	v17 =	vor.u32 $0x100, v7  }
0x13e: {  	[tilespmem:v21+s22+$0x0] =	vst.idx.add.f32.msk $0xffff, v20;
	v20 =	vor.u32 $0x80, v9  }
0x13f: {  	v28 =	vor.u32 $0x80, v3;
	[tilespmem:v11+s22+$0x0] =	vst.idx.add.f32.msk $0xffff, v26  }
0x140: {  	v21 =	vld.idx.msk [tilespmem:v25+s2+$0x0], $0xffff;
	v25 =	vshll.u32 v24, $0x3  }
0x141: {  	v22 =	vor.u32 $0x100, v13;
	v24 =	vand.u32 $0x7F, v24;
	v25 =	vand.u32 $0xFFFFFC00, v25;
	[tilespmem:v15+s22+$0x0] =	vst.idx.add.f32.msk $0xffff, v27  }
0x142: {  	v29 =	vor.u32 $0x80, v10;
	v15 =	vor.u32 v24, v25;
	v24 =	vld.idx.msk [tilespmem:v17+s2+$0x0], $0xffff  }
0x143: {  	v27 =	vld.idx.msk [tilespmem:v20+s2+$0x0], $0xffff;
	v20 =	vor.u32 $0x100, v5  }
0x144: {  	v23 =	vld.idx.msk [tilespmem:v28+s2+$0x0], $0xffff;
	v26 =	vor.u32 $0x80, v8  }
0x145: {  	v28 =	vld.idx.msk [tilespmem:v16+s2+$0x0], $0xffff  }
0x146: {  	v31 =	vor.u32 $0x100, v4;
	v22 =	vld.idx.msk [tilespmem:v22+s2+$0x0], $0xffff  }
0x147: {  	v30 =	vor.u32 $0x80, v18;
	v29 =	vld.idx.msk [tilespmem:v29+s2+$0x0], $0xffff  }
0x148: {  	[tilespmem:v20+s22+$0x0] =	vst.idx.add.f32.msk $0xffff, v24;
	v20 =	vor.u32 $0x100, v9  }
0x149: {  	[tilespmem:v26+s22+$0x0] =	vst.idx.add.f32.msk $0xffff, v23  }
0x14a: {  	v25 =	vor.u32 $0x100, v3;
	v17 =	vshll.u32 v2, $0x3;
	[tilespmem:v15+s22+$0x0] =	vst.idx.add.f32.msk $0xffff, v28  }
0x14b: {  	v26 =	vor.u32 $0x80, v16;
	v23 =	vor.u32 $0x100, v12;
	v17 =	vand.u32 $0xFFFFFC00, v17;
	[tilespmem:v31+s22+$0x0] =	vst.idx.add.f32.msk $0xffff, v22  }
0x14c: {  	s0 =	simm.s32 $0x0;
	s29 =	simm.s32 $0x1F980;
	s30 =	simm.s32 $0x1F180;
	v28 =	vor.u32 $0x80, v6;
	[tilespmem:v30+s22+$0x0] =	vst.idx.add.f32.msk $0xffff, v27;
	v30 =	vor.u32 $0x80, v11;
	v27 =	vor.u32 $0x100, v10  }
.LBB2_8:
0x14d: {  	s0 =	sadd.s32 $0x80, s0;
	v31 =	vld.idx.msk [tilespmem:v20+s2+$0x0], $0xffff;
	s26 =	sadd.s32 $0x80, s26;
	s28 =	sadd.s32 $0x80, s28  }
0x14e: {  	v20 =	vld [tilespmem:s26+$0xFFFFFFD0];
	p0 =	slt.u32 s0, $0x700  }
0x14f: {  	v22 =	vld [tilespmem:s26+$0xFFFFFFE0]  }
0x150: {  	v2 =	vand.u32 $0x7F, v2;
	[tilespmem:v23+s22+$0x0] =	vst.idx.add.f32.msk $0xffff, v21  }
0x151: {  	v32 =	vor.u32 v2, v17;
	v21 =	vld [tilespmem:s26+$0x0]  }
0x152: {  	v23 =	vld [tilespmem:s26+$0x10]  }
0x153: {  	v24 =	vld [tilespmem:s26+$0x30]  }
0x154: {  	v2 =	vor.u32 $0x180, v14;
	v33 =	vld [tilespmem:s26+$0xFFFFFFC0]  }
0x155: {  	[tilespmem:v30+s22+$0x0] =	vst.idx.add.f32.msk $0xffff, v29  }
0x156: {  	[tilespmem:v32+s22+$0x0] =	vst.idx.add.f32.msk $0xffff, v19  }
0x157: {  	v17 =	vor.u32 $0x100, v18;
	v14 =	vld [tilespmem:s28+$0xFFFFFFC0]  }
0x158: {  	v19 =	vld.idx.msk [tilespmem:v28+s2+$0x0], $0xffff  }
0x159: {  	v13 =	vor.u32 $0x180, v13;
	v28 =	vld.idx.msk [tilespmem:v2+s2+$0x0], $0xffff  }
0x15a: {  	v29 =	vor.u32 $0x80, v32;
	v25 =	vld.idx.msk [tilespmem:v25+s2+$0x0], $0xffff  }
0x15b: {  	v30 =	vor.u32 $0x180, v12;
	v26 =	vld.idx.msk [tilespmem:v26+s2+$0x0], $0xffff  }
0x15c: {  	v34 =	vor.u32 $0x80, v15;
	[tilespmem:v17+s22+$0x0] =	vst.idx.add.f32.msk $0xffff, v31  }
0x15d: {  	v12 =	vor.u32 $0x200, v12;
	v2 =	vld [tilespmem:s28+$0xFFFFFFE0]  }
0x15e: {  	v13 =	vld.idx.msk [tilespmem:v13+s2+$0x0], $0xffff  }
0x15f: {  	[tilespmem:v29+s22+$0x0] =	vst.idx.add.f32.msk $0xffff, v19;
	v19 =	vor.u32 $0x100, v16  }
0x160: {  	[tilespmem:v30+s22+$0x0] =	vst.idx.add.f32.msk $0xffff, v28;
	v28 =	vor.u32 $0x100, v6  }
0x161: {  	v7 =	vor.u32 $0x180, v7;
	[tilespmem:v34+s22+$0x0] =	vst.idx.add.f32.msk $0xffff, v26  }
0x162: {  	v9 =	vor.u32 $0x180, v9;
	v17 =	vshll.u32 v2, $0x3;
	[tilespmem:v12+s22+$0x0] =	vst.idx.add.f32.msk $0xffff, v1  }
0x163: {  	v17 =	vand.u32 $0xFFFFFC00, v17;
	v12 =	vld.idx.msk [tilespmem:v27+s2+$0x0], $0xffff  }
0x164: {  	v26 =	vor.u32 $0x100, v11;
	v19 =	vld.idx.msk [tilespmem:v19+s2+$0x0], $0xffff  }
0x165: {  	v27 =	vld.idx.msk [tilespmem:v28+s2+$0x0], $0xffff  }
0x166: {  	v28 =	vor.u32 $0x100, v15;
	v7 =	vld.idx.msk [tilespmem:v7+s2+$0x0], $0xffff  }
0x167: {  	v29 =	vor.u32 $0x100, v32;
	v9 =	vld.idx.msk [tilespmem:v9+s2+$0x0], $0xffff  }
0x168: {  	v10 =	vor.u32 $0x180, v10;
	v30 =	vld [tilespmem:s26+$0x20]  }
0x169: {  	[tilespmem:v26+s22+$0x0] =	vst.idx.add.f32.msk $0xffff, v12;
	v12 =	vor.u32 $0x180, v18  }
0x16a: {  	v18 =	vor.u32 $0x200, v18;
	v26 =	vld [tilespmem:s26+$0xFFFFFFF0]  }
0x16b: {  	v16 =	vor.u32 $0x180, v16;
	[tilespmem:v28+s22+$0x0] =	vst.idx.add.f32.msk $0xffff, v19  }
0x16c: {  	v6 =	vor.u32 $0x180, v6;
	[tilespmem:v29+s22+$0x0] =	vst.idx.add.f32.msk $0xffff, v27  }
0x16d: {  	v19 =	vor.u32 $0x100, v8;
	v10 =	vld.idx.msk [tilespmem:v10+s2+$0x0], $0xffff  }
0x16e: {  	v27 =	vor.u32 $0x180, v11;
	[tilespmem:v12+s22+$0x0] =	vst.idx.add.f32.msk $0xffff, v9  }
0x16f: {  	v3 =	vor.u32 $0x180, v3;
	[tilespmem:v18+s22+$0x0] =	vst.idx.add.f32.msk $0xffff, v1  }
0x170: {  	v12 =	vor.u32 $0x180, v4;
	v9 =	vld.idx.msk [tilespmem:v16+s2+$0x0], $0xffff  }
0x171: {  	v16 =	vor.u32 $0x180, v5;
	v6 =	vld.idx.msk [tilespmem:v6+s2+$0x0], $0xffff  }
0x172: {  	v5 =	vor.u32 $0x200, v5;
	[tilespmem:v19+s22+$0x0] =	vst.idx.add.f32.msk $0xffff, v25  }
0x173: {  	[tilespmem:v27+s22+$0x0] =	vst.idx.add.f32.msk $0xffff, v10;
	v10 =	vor.u32 $0x180, v15  }
0x174: {  	v18 =	vor.u32 $0x180, v32;
	v3 =	vld.idx.msk [tilespmem:v3+s2+$0x0], $0xffff  }
0x175: {  	v19 =	vor.u32 $0x180, v8;
	[tilespmem:v12+s22+$0x0] =	vst.idx.add.f32.msk $0xffff, v13  }
0x176: {  	v4 =	vor.u32 $0x200, v4;
	[tilespmem:v16+s22+$0x0] =	vst.idx.add.f32.msk $0xffff, v7  }
0x177: {  	v7 =	vor.u32 $0x200, v11;
	[tilespmem:v5+s22+$0x0] =	vst.idx.add.f32.msk $0xffff, v1  }
0x178: {  	v5 =	vor.u32 $0x200, v32;
	[tilespmem:v10+s22+$0x0] =	vst.idx.add.f32.msk $0xffff, v9  }
0x179: {  	v8 =	vor.u32 $0x200, v8;
	[tilespmem:v18+s22+$0x0] =	vst.idx.add.f32.msk $0xffff, v6;
	v6 =	vor.u32 $0x200, v15  }
0x17a: {  	v9 =	vand.u32 $0x7F, v14;
	v10 =	vshll.u32 v14, $0x3;
	[tilespmem:v19+s22+$0x0] =	vst.idx.add.f32.msk $0xffff, v3  }
0x17b: {  	v11 =	vshll.u32 v33, $0x2;
	v10 =	vand.u32 $0xFFFFFC00, v10;
	v3 =	vand.u32 $0x7F, v33;
	[tilespmem:v4+s22+$0x0] =	vst.idx.add.f32.msk $0xffff, v1  }
0x17c: {  	v12 =	vor.u32 v9, v10;
	v9 =	vshll.u32 v24, $0x2;
	v4 =	vand.u32 $0xFFFFFE00, v11;
	[tilespmem:v7+s22+$0x0] =	vst.idx.add.f32.msk $0xffff, v1  }
0x17d: {  	v10 =	vand.u32 $0x7F, v30;
	v11 =	vand.u32 $0x7F, v24;
	v7 =	vshll.u32 v30, $0x2;
	[tilespmem:v5+s22+$0x0] =	vst.idx.add.f32.msk $0xffff, v1  }
0x17e: {  	v14 =	vor.u32 v3, v4;
	v3 =	vshll.u32 v23, $0x2;
	v4 =	vand.u32 $0xFFFFFE00, v7;
	[tilespmem:v8+s22+$0x0] =	vst.idx.add.f32.msk $0xffff, v1  }
0x17f: {  	v5 =	vshll.u32 v21, $0x2;
	v3 =	vand.u32 $0xFFFFFE00, v3;
	v7 =	vand.u32 $0xFFFFFE00, v9;
	[tilespmem:v6+s22+$0x0] =	vst.idx.add.f32.msk $0xffff, v1  }
0x180: {  	v8 =	vand.u32 $0x7F, v23;
	v7 =	vor.u32 v11, v7;
	v6 =	vshll.u32 v26, $0x2;
	v15 =	vld [tilespmem:s28+$0x20]  }
0x181: {  	v9 =	vshll.u32 v22, $0x2;
	v11 =	vand.u32 $0x7F, v26;
	v13 =	vor.u32 v10, v4;
	v4 =	vld [tilespmem:s28+$0x30]  }
0x182: {  	v10 =	vshll.u32 v20, $0x2;
	v16 =	vand.u32 $0xFFFFFE00, v9;
	v9 =	vor.u32 v8, v3;
	v23 =	vld [tilespmem:s28+$0xFFFFFFD0]  }
0x183: {  	v5 =	vand.u32 $0xFFFFFE00, v5;
	v8 =	vand.u32 $0xFFFFFE00, v10;
	v3 =	vand.u32 $0x7F, v22;
	v22 =	vld [tilespmem:s28+$0x0]  }
0x184: {  	v19 =	vand.u32 $0x7F, v21;
	v10 =	vand.u32 $0x7F, v20;
	v18 =	vand.u32 $0xFFFFFE00, v6;
	v20 =	vld [tilespmem:s28+$0x10]  }
0x185: {  	v6 =	vor.u32 v3, v16;
	v3 =	vor.u32 v19, v5;
	v16 =	vor.u32 v11, v18;
	v11 =	vld.idx.msk [tilespmem:v7+s2+$0x0], $0xffff  }
0x186: {  	v10 =	vor.u32 v10, v8;
	v5 =	vshll.u32 v15, $0x3;
	v8 =	vld.idx.msk [tilespmem:v13+s2+$0x0], $0xffff;
	v18 =	vshll.u32 v4, $0x3  }
0x187: {  	v19 =	vand.u32 $0xFFFFFC00, v5;
	v4 =	vand.u32 $0x7F, v4;
	v21 =	vld.idx.msk [tilespmem:v9+s2+$0x0], $0xffff;
	v5 =	vand.u32 $0xFFFFFC00, v18  }
0x188: {  	v15 =	vand.u32 $0x7F, v15;
	v24 =	vld.idx.msk [tilespmem:v14+s2+$0x0], $0xffff;
	v18 =	vshll.u32 v22, $0x3;
	v5 =	vor.u32 v4, v5  }
0x189: {  	v27 =	vor.u32 $0x80, v13;
	v4 =	vor.u32 v15, v19;
	v25 =	vld [tilespmem:s28+$0xFFFFFFF0];
	v26 =	vshll.u32 v20, $0x3  }
0x18a: {  	v15 =	vand.u32 $0xFFFFFC00, v18;
	v28 =	vld.idx.msk [tilespmem:v3+s2+$0x0], $0xffff;
	v18 =	vand.u32 $0xFFFFFC00, v26;
	v26 =	vor.u32 $0x80, v7  }
0x18b: {  	v29 =	vor.u32 $0x80, v14;
	v19 =	vshll.u32 v23, $0x3;
	v30 =	vld.idx.msk [tilespmem:v10+s2+$0x0], $0xffff  }
0x18c: {  	v32 =	vor.u32 $0x80, v3;
	v31 =	vand.u32 $0xFFFFFC00, v19;
	v20 =	vand.u32 $0x7F, v20;
	v19 =	vld.idx.msk [tilespmem:v6+s2+$0x0], $0xffff  }
0x18d: {  	v18 =	vor.u32 v20, v18;
	[tilespmem:v5+s22+$0x0] =	vst.idx.add.f32.msk $0xffff, v11  }
0x18e: {  	v22 =	vand.u32 $0x7F, v22;
	v20 =	vand.u32 $0x7F, v25;
	v11 =	vshll.u32 v25, $0x3;
	[tilespmem:v4+s22+$0x0] =	vst.idx.add.f32.msk $0xffff, v8  }
0x18f: {  	v23 =	vand.u32 $0x7F, v23;
	v8 =	vor.u32 v22, v15;
	v25 =	vand.u32 $0xFFFFFC00, v11;
	v22 =	vld.idx.msk [tilespmem:v26+s2+$0x0], $0xffff  }
0x190: {  	v11 =	vor.u32 v23, v31;
	[tilespmem:v12+s22+$0x0] =	vst.idx.add.f32.msk $0xffff, v24;
	v15 =	vor.u32 v20, v25  }
0x191: {  	v23 =	vor.u32 $0x80, v5;
	v20 =	vld.idx.msk [tilespmem:v29+s2+$0x0], $0xffff  }
0x192: {  	v31 =	vor.u32 $0x100, v13;
	v24 =	vor.u32 $0x80, v12;
	v29 =	vor.u32 $0x80, v10;
	[tilespmem:v18+s22+$0x0] =	vst.idx.add.f32.msk $0xffff, v21  }
0x193: {  	v21 =	vor.u32 $0x100, v14;
	v27 =	vld.idx.msk [tilespmem:v27+s2+$0x0], $0xffff  }
0x194: {  	v25 =	vor.u32 $0x100, v3;
	[tilespmem:v8+s22+$0x0] =	vst.idx.add.f32.msk $0xffff, v28  }
0x195: {  	v33 =	vor.u32 $0x80, v4;
	v26 =	vor.u32 $0x80, v16;
	[tilespmem:v11+s22+$0x0] =	vst.idx.add.f32.msk $0xffff, v30;
	v30 =	vor.u32 $0x80, v9  }
0x196: {  	[tilespmem:v23+s22+$0x0] =	vst.idx.add.f32.msk $0xffff, v22  }
0x197: {  	v28 =	vor.u32 $0x80, v6;
	[tilespmem:v24+s22+$0x0] =	vst.idx.add.f32.msk $0xffff, v20;
	v20 =	vor.u32 $0x100, v7  }
0x198: {  	v21 =	vld.idx.msk [tilespmem:v21+s2+$0x0], $0xffff  }
0x199: {  	v23 =	vor.u32 $0x80, v8;
	v22 =	vld.idx.msk [tilespmem:v32+s2+$0x0], $0xffff  }
0x19a: {  	v24 =	vld.idx.msk [tilespmem:v16+s2+$0x0], $0xffff  }
0x19b: {  	[tilespmem:v33+s22+$0x0] =	vst.idx.add.f32.msk $0xffff, v27  }
0x19c: {  	v32 =	vor.u32 $0x100, v4;
	v33 =	vld.idx.msk [tilespmem:v20+s2+$0x0], $0xffff  }
0x19d: {  	v35 =	vor.u32 $0x100, v5;
	v34 =	vld.idx.msk [tilespmem:v30+s2+$0x0], $0xffff  }
0x19e: {  	v36 =	vor.u32 $0x80, v18;
	v31 =	vld.idx.msk [tilespmem:v31+s2+$0x0], $0xffff  }
0x19f: {  	[tilespmem:v23+s22+$0x0] =	vst.idx.add.f32.msk $0xffff, v22  }
.Ltmp3:
0x1a0: {  	v20 =	vor.u32 $0x100, v9;
	v29 =	vld.idx.msk [tilespmem:v29+s2+$0x0], $0xffff;
	(pc) =	sbr.rel @p0 .LBB2_8-.Ltmp3, $4  }
0x1a1: {  	[tilespmem:v15+s22+$0x0] =	vst.idx.add.f32.msk $0xffff, v24  }
0x1a2: {  	v27 =	vor.u32 $0x100, v10;
	v30 =	vor.u32 $0x80, v11;
	[tilespmem:v35+s22+$0x0] =	vst.idx.add.f32.msk $0xffff, v33  }
0x1a3: {  	v23 =	vor.u32 $0x100, v12;
	[tilespmem:v36+s22+$0x0] =	vst.idx.add.f32.msk $0xffff, v34  }
0x1a4: {  	s31 =	simm.s32 $0x770;
	[tilespmem:v32+s22+$0x0] =	vst.idx.add.f32.msk $0xffff, v31  }
0x1a5: {  	_ =	sdelay $0x3  }
0x1a6: {  	v34 =	vld.idx.msk [tilespmem:v20+s2+$0x0], $0xffff  }
0x1a7: {  	v14 =	vor.u32 $0x180, v14;
	[tilespmem:v23+s22+$0x0] =	vst.idx.add.f32.msk $0xffff, v21  }
0x1a8: {  	[tilespmem:v30+s22+$0x0] =	vst.idx.add.f32.msk $0xffff, v29;
	v35 =	vor.u32 $0x100, v18  }
0x1a9: {  	v13 =	vor.u32 $0x180, v13;
	v22 =	vld.idx.msk [tilespmem:v25+s2+$0x0], $0xffff  }
0x1aa: {  	v24 =	vld.idx.msk [tilespmem:v26+s2+$0x0], $0xffff;
	v39 =	vor.u32 $0x80, v15  }
0x1ab: {  	v7 =	vor.u32 $0x180, v7;
	v43 =	vld.idx.msk [tilespmem:v27+s2+$0x0], $0xffff  }
0x1ac: {  	v2 =	vand.u32 $0x7F, v2;
	v51 =	vor.u32 $0x100, v8;
	v14 =	vld.idx.msk [tilespmem:v14+s2+$0x0], $0xffff  }
0x1ad: {  	v2 =	vor.u32 v2, v17;
	[tilespmem:v35+s22+$0x0] =	vst.idx.add.f32.msk $0xffff, v34  }
0x1ae: {  	v41 =	vor.u32 $0x100, v16;
	v13 =	vld.idx.msk [tilespmem:v13+s2+$0x0], $0xffff  }
0x1af: {  	v9 =	vor.u32 $0x180, v9;
	[tilespmem:v39+s22+$0x0] =	vst.idx.add.f32.msk $0xffff, v24  }
0x1b0: {  	v44 =	vor.u32 $0x100, v11;
	v7 =	vld.idx.msk [tilespmem:v7+s2+$0x0], $0xffff  }
0x1b1: {  	v3 =	vor.u32 $0x180, v3;
	[tilespmem:v51+s22+$0x0] =	vst.idx.add.f32.msk $0xffff, v22  }
0x1b2: {  	[tilespmem:v2+s22+$0x0] =	vst.idx.add.f32.msk $0xffff, v19  }
0x1b3: {  	v10 =	vor.u32 $0x180, v10;
	v17 =	vld.idx.msk [tilespmem:v41+s2+$0x0], $0xffff  }
0x1b4: {  	v38 =	vor.u32 $0x180, v12;
	v9 =	vld.idx.msk [tilespmem:v9+s2+$0x0], $0xffff  }
0x1b5: {  	v54 =	vor.u32 $0x180, v4;
	[tilespmem:v44+s22+$0x0] =	vst.idx.add.f32.msk $0xffff, v43  }
0x1b6: {  	v55 =	vor.u32 $0x180, v5;
	v3 =	vld.idx.msk [tilespmem:v3+s2+$0x0], $0xffff  }
0x1b7: {  	v40 =	vor.u32 $0x200, v12;
	v36 =	vld.idx.msk [tilespmem:v28+s2+$0x0], $0xffff  }
0x1b8: {  	v45 =	vor.u32 $0x100, v15;
	v10 =	vld.idx.msk [tilespmem:v10+s2+$0x0], $0xffff  }
0x1b9: {  	v47 =	vor.u32 $0x180, v18;
	[tilespmem:v38+s22+$0x0] =	vst.idx.add.f32.msk $0xffff, v14  }
0x1ba: {  	v56 =	vor.u32 $0x200, v5;
	[tilespmem:v54+s22+$0x0] =	vst.idx.add.f32.msk $0xffff, v13  }
0x1bb: {  	v59 =	vor.u32 $0x180, v8;
	[tilespmem:v55+s22+$0x0] =	vst.idx.add.f32.msk $0xffff, v7  }
0x1bc: {  	v37 =	vor.u32 $0x80, v2;
	[tilespmem:v40+s22+$0x0] =	vst.idx.add.f32.msk $0xffff, v1  }
0x1bd: {  	v42 =	vor.u32 $0x100, v6;
	[tilespmem:v45+s22+$0x0] =	vst.idx.add.f32.msk $0xffff, v17  }
0x1be: {  	v60 =	vor.u32 $0x200, v4;
	[tilespmem:v47+s22+$0x0] =	vst.idx.add.f32.msk $0xffff, v9  }
0x1bf: {  	v48 =	vor.u32 $0x200, v18;
	[tilespmem:v56+s22+$0x0] =	vst.idx.add.f32.msk $0xffff, v1  }
0x1c0: {  	v49 =	vor.u32 $0x180, v16;
	[tilespmem:v59+s22+$0x0] =	vst.idx.add.f32.msk $0xffff, v3  }
0x1c1: {  	v52 =	vor.u32 $0x180, v11;
	[tilespmem:v37+s22+$0x0] =	vst.idx.add.f32.msk $0xffff, v36  }
0x1c2: {  	v46 =	vor.u32 $0x100, v2;
	v14 =	vld.idx.msk [tilespmem:v42+s2+$0x0], $0xffff  }
0x1c3: {  	v50 =	vor.u32 $0x180, v6;
	[tilespmem:v60+s22+$0x0] =	vst.idx.add.f32.msk $0xffff, v1  }
0x1c4: {  	v62 =	vor.u32 $0x200, v8;
	[tilespmem:v48+s22+$0x0] =	vst.idx.add.f32.msk $0xffff, v1  }
0x1c5: {  	v61 =	vor.u32 $0x200, v11;
	v53 =	vld.idx.msk [tilespmem:v49+s2+$0x0], $0xffff  }
0x1c6: {  	v57 =	vor.u32 $0x180, v15;
	[tilespmem:v52+s22+$0x0] =	vst.idx.add.f32.msk $0xffff, v10  }
0x1c7: {  	v63 =	vor.u32 $0x200, v15;
	[tilespmem:v46+s22+$0x0] =	vst.idx.add.f32.msk $0xffff, v14  }
0x1c8: {  	v58 =	vor.u32 $0x180, v2;
	v6 =	vld.idx.msk [tilespmem:v50+s2+$0x0], $0xffff  }
0x1c9: {  	v2 =	vor.u32 $0x200, v2;
	[tilespmem:v62+s22+$0x0] =	vst.idx.add.f32.msk $0xffff, v1  }
0x1ca: {  	[tilespmem:v61+s22+$0x0] =	vst.idx.add.f32.msk $0xffff, v1  }
0x1cb: {  	[tilespmem:v57+s22+$0x0] =	vst.idx.add.f32.msk $0xffff, v53  }
0x1cc: {  	[tilespmem:v63+s22+$0x0] =	vst.idx.add.f32.msk $0xffff, v1  }
0x1cd: {  	[tilespmem:v58+s22+$0x0] =	vst.idx.add.f32.msk $0xffff, v6  }
0x1ce: {  	[tilespmem:v2+s22+$0x0] =	vst.idx.add.f32.msk $0xffff, v1  }
.LBB2_10:
0x1cf: {  	v2 =	vld [tilespmem:s30+$0x0];
	_ =	sdelay $0x4  }
0x1d0: {  	v3 =	vld [tilespmem:s29+$0x0];
	v4 =	vshll.u32 v2, $0x2  }
0x1d1: {  	v2 =	vand.u32 $0x7F, v2;
	v4 =	vand.u32 $0xFFFFFE00, v4  }
0x1d2: {  	v2 =	vor.u32 v2, v4;
	_ =	sdelay $0x2  }
0x1d3: {  	v59 =	vshll.u32 v3, $0x3  }
0x1d4: {  	v3 =	vand.u32 $0x7F, v3;
	v4 =	vand.u32 $0xFFFFFC00, v59  }
0x1d5: {  	v3 =	vor.u32 v3, v4;
	v5 =	vld.idx.msk [tilespmem:v2+s2+$0x0], $0xffff  }
0x1d6: {  	v60 =	vor.u32 $0x80, v2;
	_ =	sdelay $0x3  }
0x1d7: {  	[tilespmem:v3+s22+$0x0] =	vst.idx.add.f32.msk $0xffff, v5  }
0x1d8: {  	v61 =	vor.u32 $0x80, v3;
	v4 =	vld.idx.msk [tilespmem:v60+s2+$0x0], $0xffff  }
0x1d9: {  	v6 =	vor.u32 $0x100, v2;
	_ =	sdelay $0x3  }
0x1da: {  	[tilespmem:v61+s22+$0x0] =	vst.idx.add.f32.msk $0xffff, v4  }
0x1db: {  	v62 =	vor.u32 $0x100, v3;
	v4 =	vld.idx.msk [tilespmem:v6+s2+$0x0], $0xffff  }
0x1dc: {  	v2 =	vor.u32 $0x180, v2;
	_ =	sdelay $0x3  }
0x1dd: {  	[tilespmem:v62+s22+$0x0] =	vst.idx.add.f32.msk $0xffff, v4  }
0x1de: {  	s31 =	sadd.s32 $0x10, s31;
	v63 =	vor.u32 $0x180, v3;
	v2 =	vld.idx.msk [tilespmem:v2+s2+$0x0], $0xffff  }
0x1df: {  	p0 =	slt.u32 s31, $0x7C0;
	v3 =	vor.u32 $0x200, v3  }
.Ltmp4:
0x1e0: {  	_ = 	snop;
	(pc) =	sbr.rel @p0 .LBB2_10-.Ltmp4, $3  }
0x1e1: {  	_ =	sdelay $0x1  }
0x1e2: {  	[tilespmem:v63+s22+$0x0] =	vst.idx.add.f32.msk $0xffff, v2  }
0x1e3: {  	s29 =	sadd.s32 $0x10, s29;
	s30 =	sadd.s32 $0x10, s30;
	[tilespmem:v3+s22+$0x0] =	vst.idx.add.f32.msk $0xffff, v1  }
0x1e4: {  	[tilespmem:s1], [sflag:$0x3] =	stream.linear.gather [hbm4b:s10+s2], $0x7D0, $0x38;
	[tilespmem:$0x1FA00] =	vst v63  }
0x1e5: {  	_ = 	snop  }
0x1e6: {  	[tilespmem:s20], [sflag:$0x3] =	stream.linear.gather [hbm4b:s11+s2], $0x7D0, $0x38;
	[tilespmem:$0x1FA00] =	vst v63  }
0x1e7: {  	_ =	swait.ge [sflag:s21], $0x7D0  }
0x1e8: {  	[sflag:s21] =	ssyncset.done $0x0  }
0x1e9: {  	[sflag:s21] =	ssyncadd.s32 $0xFFFFF830  }
0x1ea: {  	_ =	swait.ge [sflag:s21], $0x7D0  }
0x1eb: {  	[sflag:s21] =	ssyncset.done $0x0  }
0x1ec: {  	s26 =	simm.s32 $0x1DA40;
	[sflag:s21] =	ssyncadd.s32 $0xFFFFF830  }
0x1ed: {  	v3 =	vld [tilespmem:s26+$0xFFFFFFD0]  }
0x1ee: {  	v2 =	vld [tilespmem:s26+$0xFFFFFFC0]  }
0x1ef: {  	v5 =	vld [tilespmem:s26+$0x20]  }
0x1f0: {  	v8 =	vld [tilespmem:s26+$0x10]  }
0x1f1: {  	v4 =	vld [tilespmem:s26+$0x30]  }
0x1f2: {  	v6 =	vld [tilespmem:s26+$0xFFFFFFE0]  }
0x1f3: {  	s28 =	simm.s32 $0x1E240;
	v10 =	vld [tilespmem:s26+$0x0]  }
0x1f4: {  	v11 =	vld [tilespmem:s28+$0xFFFFFFC0];
	v9 =	vand.u32 $0x7F, v2;
	v7 =	vshll.u32 v2, $0x2;
	v13 =	vand.u32 $0x7F, v5  }
0x1f5: {  	v15 =	vld [tilespmem:s26+$0xFFFFFFF0];
	v5 =	vshll.u32 v5, $0x2;
	v14 =	vshll.u32 v8, $0x2;
	v8 =	vand.u32 $0x7F, v8  }
0x1f6: {  	v16 =	vld [tilespmem:s28+$0x20];
	v19 =	vand.u32 $0x7F, v3;
	v12 =	vand.u32 $0xFFFFFE00, v7;
	v7 =	vshll.u32 v4, $0x2  }
0x1f7: {  	v17 =	vld [tilespmem:s28+$0xFFFFFFD0];
	v4 =	vand.u32 $0x7F, v4;
	v5 =	vand.u32 $0xFFFFFE00, v5;
	v7 =	vand.u32 $0xFFFFFE00, v7  }
0x1f8: {  	v13 =	vor.u32 v13, v5;
	v5 =	vld [tilespmem:s28+$0x30];
	v7 =	vor.u32 v4, v7;
	v4 =	vand.u32 $0xFFFFFE00, v14  }
0x1f9: {  	v20 =	vld [tilespmem:s28+$0x0];
	v14 =	vor.u32 v9, v12;
	v12 =	vshll.u32 v6, $0x2;
	v6 =	vand.u32 $0x7F, v6  }
0x1fa: {  	v18 =	vld [tilespmem:s28+$0x10];
	v9 =	vor.u32 v8, v4;
	v4 =	vshll.u32 v10, $0x2;
	v8 =	vshll.u32 v3, $0x2  }
0x1fb: {  	v24 =	vld [tilespmem:s28+$0xFFFFFFF0];
	v12 =	vand.u32 $0xFFFFFE00, v12;
	v10 =	vand.u32 $0x7F, v10;
	v8 =	vand.u32 $0xFFFFFE00, v8  }
0x1fc: {  	v2 =	vld [tilespmem:s28+$0xFFFFFFE0];
	v4 =	vand.u32 $0xFFFFFE00, v4;
	v6 =	vor.u32 v6, v12;
	v12 =	vshll.u32 v16, $0x3  }
0x1fd: {  	v3 =	vor.u32 v10, v4;
	v10 =	vor.u32 v19, v8;
	v8 =	vld.idx.msk [tilespmem:v13+s2+$0x0], $0xffff;
	v4 =	vshll.u32 v5, $0x3  }
0x1fe: {  	v16 =	vand.u32 $0x7F, v16;
	v5 =	vand.u32 $0x7F, v5;
	v21 =	vld.idx.msk [tilespmem:v7+s2+$0x0], $0xffff;
	v4 =	vand.u32 $0xFFFFFC00, v4  }
0x1ff: {  	v12 =	vand.u32 $0xFFFFFC00, v12;
	v19 =	vshll.u32 v11, $0x3;
	v23 =	vld.idx.msk [tilespmem:v14+s2+$0x0], $0xffff;
	v5 =	vor.u32 v5, v4  }
0x200: {  	v11 =	vand.u32 $0x7F, v11;
	v22 =	vld.idx.msk [tilespmem:v9+s2+$0x0], $0xffff;
	v4 =	vor.u32 v16, v12;
	v12 =	vand.u32 $0xFFFFFC00, v19  }
0x201: {  	v12 =	vor.u32 v11, v12;
	v19 =	vld.idx.msk [tilespmem:v6+s2+$0x0], $0xffff  }
0x202: {  	v27 =	vor.u32 $0x80, v14;
	v11 =	vshll.u32 v18, $0x3;
	v16 =	vld.idx.msk [tilespmem:v3+s2+$0x0], $0xffff  }
0x203: {  	v25 =	vor.u32 $0x80, v7;
	v18 =	vand.u32 $0x7F, v18;
	v26 =	vld.idx.msk [tilespmem:v10+s2+$0x0], $0xffff;
	v11 =	vand.u32 $0xFFFFFC00, v11  }
0x204: {  	v28 =	vshll.u32 v20, $0x3;
	v20 =	vand.u32 $0x7F, v20;
	v18 =	vor.u32 v18, v11;
	[tilespmem:v5+s22+$0x0] =	vst.idx.add.f32.msk $0xffff, v21  }
0x205: {  	v29 =	vor.u32 $0x80, v13;
	v11 =	vand.u32 $0xFFFFFC00, v28;
	v21 =	vshll.u32 v17, $0x3;
	[tilespmem:v4+s22+$0x0] =	vst.idx.add.f32.msk $0xffff, v8  }
0x206: {  	v17 =	vand.u32 $0x7F, v17;
	v8 =	vor.u32 v20, v11;
	v21 =	vand.u32 $0xFFFFFC00, v21;
	[tilespmem:v12+s22+$0x0] =	vst.idx.add.f32.msk $0xffff, v23  }
0x207: {  	v23 =	vor.u32 $0x80, v12;
	v11 =	vor.u32 v17, v21;
	v17 =	vld.idx.msk [tilespmem:v27+s2+$0x0], $0xffff  }
0x208: {  	v20 =	vld.idx.msk [tilespmem:v25+s2+$0x0], $0xffff;
	v21 =	vor.u32 $0x80, v5  }
0x209: {  	[tilespmem:v18+s22+$0x0] =	vst.idx.add.f32.msk $0xffff, v22;
	v22 =	vshll.u32 v15, $0x2  }
0x20a: {  	v25 =	vor.u32 $0x100, v14;
	v27 =	vld.idx.msk [tilespmem:v29+s2+$0x0], $0xffff;
	v15 =	vand.u32 $0x7F, v15;
	v22 =	vand.u32 $0xFFFFFE00, v22  }
0x20b: {  	[tilespmem:v8+s22+$0x0] =	vst.idx.add.f32.msk $0xffff, v16;
	v16 =	vor.u32 v15, v22;
	v15 =	vor.u32 $0x80, v4  }
0x20c: {  	[tilespmem:v23+s22+$0x0] =	vst.idx.add.f32.msk $0xffff, v17;
	v17 =	vor.u32 $0x100, v7  }
0x20d: {  	[tilespmem:v21+s22+$0x0] =	vst.idx.add.f32.msk $0xffff, v20;
	v20 =	vor.u32 $0x80, v9  }
0x20e: {  	v28 =	vor.u32 $0x80, v3;
	[tilespmem:v11+s22+$0x0] =	vst.idx.add.f32.msk $0xffff, v26  }
0x20f: {  	v21 =	vld.idx.msk [tilespmem:v25+s2+$0x0], $0xffff;
	v25 =	vshll.u32 v24, $0x3  }
0x210: {  	v22 =	vor.u32 $0x100, v13;
	v24 =	vand.u32 $0x7F, v24;
	v25 =	vand.u32 $0xFFFFFC00, v25;
	[tilespmem:v15+s22+$0x0] =	vst.idx.add.f32.msk $0xffff, v27  }
0x211: {  	v29 =	vor.u32 $0x80, v10;
	v15 =	vor.u32 v24, v25;
	v24 =	vld.idx.msk [tilespmem:v17+s2+$0x0], $0xffff  }
0x212: {  	v27 =	vld.idx.msk [tilespmem:v20+s2+$0x0], $0xffff;
	v20 =	vor.u32 $0x100, v5  }
0x213: {  	v23 =	vld.idx.msk [tilespmem:v28+s2+$0x0], $0xffff;
	v26 =	vor.u32 $0x80, v8  }
0x214: {  	v28 =	vld.idx.msk [tilespmem:v16+s2+$0x0], $0xffff  }
0x215: {  	v31 =	vor.u32 $0x100, v4;
	v22 =	vld.idx.msk [tilespmem:v22+s2+$0x0], $0xffff  }
0x216: {  	v30 =	vor.u32 $0x80, v18;
	v29 =	vld.idx.msk [tilespmem:v29+s2+$0x0], $0xffff  }
0x217: {  	[tilespmem:v20+s22+$0x0] =	vst.idx.add.f32.msk $0xffff, v24;
	v20 =	vor.u32 $0x100, v9  }
0x218: {  	[tilespmem:v26+s22+$0x0] =	vst.idx.add.f32.msk $0xffff, v23  }
0x219: {  	v25 =	vor.u32 $0x100, v3;
	v17 =	vshll.u32 v2, $0x3;
	[tilespmem:v15+s22+$0x0] =	vst.idx.add.f32.msk $0xffff, v28  }
0x21a: {  	v26 =	vor.u32 $0x80, v16;
	v23 =	vor.u32 $0x100, v12;
	v17 =	vand.u32 $0xFFFFFC00, v17;
	[tilespmem:v31+s22+$0x0] =	vst.idx.add.f32.msk $0xffff, v22  }
0x21b: {  	s0 =	simm.s32 $0x0;
	v28 =	vor.u32 $0x80, v6;
	[tilespmem:v30+s22+$0x0] =	vst.idx.add.f32.msk $0xffff, v27;
	v30 =	vor.u32 $0x80, v11;
	v27 =	vor.u32 $0x100, v10  }
.LBB2_12:
0x21c: {  	s0 =	sadd.s32 $0x80, s0;
	v31 =	vld.idx.msk [tilespmem:v20+s2+$0x0], $0xffff;
	s26 =	sadd.s32 $0x80, s26;
	s28 =	sadd.s32 $0x80, s28  }
0x21d: {  	v20 =	vld [tilespmem:s26+$0xFFFFFFD0];
	p0 =	slt.u32 s0, $0x700  }
0x21e: {  	v22 =	vld [tilespmem:s26+$0xFFFFFFE0]  }
0x21f: {  	v2 =	vand.u32 $0x7F, v2;
	[tilespmem:v23+s22+$0x0] =	vst.idx.add.f32.msk $0xffff, v21  }
0x220: {  	v32 =	vor.u32 v2, v17;
	v21 =	vld [tilespmem:s26+$0x0]  }
0x221: {  	v23 =	vld [tilespmem:s26+$0x10]  }
0x222: {  	v24 =	vld [tilespmem:s26+$0x30]  }
0x223: {  	v2 =	vor.u32 $0x180, v14;
	v33 =	vld [tilespmem:s26+$0xFFFFFFC0]  }
0x224: {  	[tilespmem:v30+s22+$0x0] =	vst.idx.add.f32.msk $0xffff, v29  }
0x225: {  	[tilespmem:v32+s22+$0x0] =	vst.idx.add.f32.msk $0xffff, v19  }
0x226: {  	v17 =	vor.u32 $0x100, v18;
	v14 =	vld [tilespmem:s28+$0xFFFFFFC0]  }
0x227: {  	v19 =	vld.idx.msk [tilespmem:v28+s2+$0x0], $0xffff  }
0x228: {  	v13 =	vor.u32 $0x180, v13;
	v28 =	vld.idx.msk [tilespmem:v2+s2+$0x0], $0xffff  }
0x229: {  	v29 =	vor.u32 $0x80, v32;
	v25 =	vld.idx.msk [tilespmem:v25+s2+$0x0], $0xffff  }
0x22a: {  	v30 =	vor.u32 $0x180, v12;
	v26 =	vld.idx.msk [tilespmem:v26+s2+$0x0], $0xffff  }
0x22b: {  	v34 =	vor.u32 $0x80, v15;
	[tilespmem:v17+s22+$0x0] =	vst.idx.add.f32.msk $0xffff, v31  }
0x22c: {  	v12 =	vor.u32 $0x200, v12;
	v2 =	vld [tilespmem:s28+$0xFFFFFFE0]  }
0x22d: {  	v13 =	vld.idx.msk [tilespmem:v13+s2+$0x0], $0xffff  }
0x22e: {  	[tilespmem:v29+s22+$0x0] =	vst.idx.add.f32.msk $0xffff, v19;
	v19 =	vor.u32 $0x100, v16  }
0x22f: {  	[tilespmem:v30+s22+$0x0] =	vst.idx.add.f32.msk $0xffff, v28;
	v28 =	vor.u32 $0x100, v6  }
0x230: {  	v7 =	vor.u32 $0x180, v7;
	[tilespmem:v34+s22+$0x0] =	vst.idx.add.f32.msk $0xffff, v26  }
0x231: {  	v9 =	vor.u32 $0x180, v9;
	v17 =	vshll.u32 v2, $0x3;
	[tilespmem:v12+s22+$0x0] =	vst.idx.add.f32.msk $0xffff, v1  }
0x232: {  	v17 =	vand.u32 $0xFFFFFC00, v17;
	v12 =	vld.idx.msk [tilespmem:v27+s2+$0x0], $0xffff  }
0x233: {  	v26 =	vor.u32 $0x100, v11;
	v19 =	vld.idx.msk [tilespmem:v19+s2+$0x0], $0xffff  }
0x234: {  	v27 =	vld.idx.msk [tilespmem:v28+s2+$0x0], $0xffff  }
0x235: {  	v28 =	vor.u32 $0x100, v15;
	v7 =	vld.idx.msk [tilespmem:v7+s2+$0x0], $0xffff  }
0x236: {  	v29 =	vor.u32 $0x100, v32;
	v9 =	vld.idx.msk [tilespmem:v9+s2+$0x0], $0xffff  }
0x237: {  	v10 =	vor.u32 $0x180, v10;
	v30 =	vld [tilespmem:s26+$0x20]  }
0x238: {  	[tilespmem:v26+s22+$0x0] =	vst.idx.add.f32.msk $0xffff, v12;
	v12 =	vor.u32 $0x180, v18  }
0x239: {  	v18 =	vor.u32 $0x200, v18;
	v26 =	vld [tilespmem:s26+$0xFFFFFFF0]  }
0x23a: {  	v16 =	vor.u32 $0x180, v16;
	[tilespmem:v28+s22+$0x0] =	vst.idx.add.f32.msk $0xffff, v19  }
0x23b: {  	v6 =	vor.u32 $0x180, v6;
	[tilespmem:v29+s22+$0x0] =	vst.idx.add.f32.msk $0xffff, v27  }
0x23c: {  	v19 =	vor.u32 $0x100, v8;
	v10 =	vld.idx.msk [tilespmem:v10+s2+$0x0], $0xffff  }
0x23d: {  	v27 =	vor.u32 $0x180, v11;
	[tilespmem:v12+s22+$0x0] =	vst.idx.add.f32.msk $0xffff, v9  }
0x23e: {  	v3 =	vor.u32 $0x180, v3;
	[tilespmem:v18+s22+$0x0] =	vst.idx.add.f32.msk $0xffff, v1  }
0x23f: {  	v12 =	vor.u32 $0x180, v4;
	v9 =	vld.idx.msk [tilespmem:v16+s2+$0x0], $0xffff  }
0x240: {  	v16 =	vor.u32 $0x180, v5;
	v6 =	vld.idx.msk [tilespmem:v6+s2+$0x0], $0xffff  }
0x241: {  	v5 =	vor.u32 $0x200, v5;
	[tilespmem:v19+s22+$0x0] =	vst.idx.add.f32.msk $0xffff, v25  }
0x242: {  	[tilespmem:v27+s22+$0x0] =	vst.idx.add.f32.msk $0xffff, v10;
	v10 =	vor.u32 $0x180, v15  }
0x243: {  	v18 =	vor.u32 $0x180, v32;
	v3 =	vld.idx.msk [tilespmem:v3+s2+$0x0], $0xffff  }
0x244: {  	v19 =	vor.u32 $0x180, v8;
	[tilespmem:v12+s22+$0x0] =	vst.idx.add.f32.msk $0xffff, v13  }
0x245: {  	v4 =	vor.u32 $0x200, v4;
	[tilespmem:v16+s22+$0x0] =	vst.idx.add.f32.msk $0xffff, v7  }
0x246: {  	v7 =	vor.u32 $0x200, v11;
	[tilespmem:v5+s22+$0x0] =	vst.idx.add.f32.msk $0xffff, v1  }
0x247: {  	v5 =	vor.u32 $0x200, v32;
	[tilespmem:v10+s22+$0x0] =	vst.idx.add.f32.msk $0xffff, v9  }
0x248: {  	v8 =	vor.u32 $0x200, v8;
	[tilespmem:v18+s22+$0x0] =	vst.idx.add.f32.msk $0xffff, v6;
	v6 =	vor.u32 $0x200, v15  }
0x249: {  	v9 =	vand.u32 $0x7F, v14;
	v10 =	vshll.u32 v14, $0x3;
	[tilespmem:v19+s22+$0x0] =	vst.idx.add.f32.msk $0xffff, v3  }
0x24a: {  	v11 =	vshll.u32 v33, $0x2;
	v10 =	vand.u32 $0xFFFFFC00, v10;
	v3 =	vand.u32 $0x7F, v33;
	[tilespmem:v4+s22+$0x0] =	vst.idx.add.f32.msk $0xffff, v1  }
0x24b: {  	v12 =	vor.u32 v9, v10;
	v9 =	vshll.u32 v24, $0x2;
	v4 =	vand.u32 $0xFFFFFE00, v11;
	[tilespmem:v7+s22+$0x0] =	vst.idx.add.f32.msk $0xffff, v1  }
0x24c: {  	v10 =	vand.u32 $0x7F, v30;
	v11 =	vand.u32 $0x7F, v24;
	v7 =	vshll.u32 v30, $0x2;
	[tilespmem:v5+s22+$0x0] =	vst.idx.add.f32.msk $0xffff, v1  }
0x24d: {  	v14 =	vor.u32 v3, v4;
	v3 =	vshll.u32 v23, $0x2;
	v4 =	vand.u32 $0xFFFFFE00, v7;
	[tilespmem:v8+s22+$0x0] =	vst.idx.add.f32.msk $0xffff, v1  }
0x24e: {  	v5 =	vshll.u32 v21, $0x2;
	v3 =	vand.u32 $0xFFFFFE00, v3;
	v7 =	vand.u32 $0xFFFFFE00, v9;
	[tilespmem:v6+s22+$0x0] =	vst.idx.add.f32.msk $0xffff, v1  }
0x24f: {  	v8 =	vand.u32 $0x7F, v23;
	v7 =	vor.u32 v11, v7;
	v6 =	vshll.u32 v26, $0x2;
	v15 =	vld [tilespmem:s28+$0x20]  }
0x250: {  	v9 =	vshll.u32 v22, $0x2;
	v11 =	vand.u32 $0x7F, v26;
	v13 =	vor.u32 v10, v4;
	v4 =	vld [tilespmem:s28+$0x30]  }
0x251: {  	v10 =	vshll.u32 v20, $0x2;
	v16 =	vand.u32 $0xFFFFFE00, v9;
	v9 =	vor.u32 v8, v3;
	v23 =	vld [tilespmem:s28+$0xFFFFFFD0]  }
0x252: {  	v5 =	vand.u32 $0xFFFFFE00, v5;
	v8 =	vand.u32 $0xFFFFFE00, v10;
	v3 =	vand.u32 $0x7F, v22;
	v22 =	vld [tilespmem:s28+$0x0]  }
0x253: {  	v19 =	vand.u32 $0x7F, v21;
	v10 =	vand.u32 $0x7F, v20;
	v18 =	vand.u32 $0xFFFFFE00, v6;
	v20 =	vld [tilespmem:s28+$0x10]  }
0x254: {  	v6 =	vor.u32 v3, v16;
	v3 =	vor.u32 v19, v5;
	v16 =	vor.u32 v11, v18;
	v11 =	vld.idx.msk [tilespmem:v7+s2+$0x0], $0xffff  }
0x255: {  	v10 =	vor.u32 v10, v8;
	v5 =	vshll.u32 v15, $0x3;
	v8 =	vld.idx.msk [tilespmem:v13+s2+$0x0], $0xffff;
	v18 =	vshll.u32 v4, $0x3  }
0x256: {  	v19 =	vand.u32 $0xFFFFFC00, v5;
	v4 =	vand.u32 $0x7F, v4;
	v21 =	vld.idx.msk [tilespmem:v9+s2+$0x0], $0xffff;
	v5 =	vand.u32 $0xFFFFFC00, v18  }
0x257: {  	v15 =	vand.u32 $0x7F, v15;
	v24 =	vld.idx.msk [tilespmem:v14+s2+$0x0], $0xffff;
	v18 =	vshll.u32 v22, $0x3;
	v5 =	vor.u32 v4, v5  }
0x258: {  	v27 =	vor.u32 $0x80, v13;
	v4 =	vor.u32 v15, v19;
	v25 =	vld [tilespmem:s28+$0xFFFFFFF0];
	v26 =	vshll.u32 v20, $0x3  }
0x259: {  	v15 =	vand.u32 $0xFFFFFC00, v18;
	v28 =	vld.idx.msk [tilespmem:v3+s2+$0x0], $0xffff;
	v18 =	vand.u32 $0xFFFFFC00, v26;
	v26 =	vor.u32 $0x80, v7  }
0x25a: {  	v29 =	vor.u32 $0x80, v14;
	v19 =	vshll.u32 v23, $0x3;
	v30 =	vld.idx.msk [tilespmem:v10+s2+$0x0], $0xffff  }
0x25b: {  	v32 =	vor.u32 $0x80, v3;
	v31 =	vand.u32 $0xFFFFFC00, v19;
	v20 =	vand.u32 $0x7F, v20;
	v19 =	vld.idx.msk [tilespmem:v6+s2+$0x0], $0xffff  }
0x25c: {  	v18 =	vor.u32 v20, v18;
	[tilespmem:v5+s22+$0x0] =	vst.idx.add.f32.msk $0xffff, v11  }
0x25d: {  	v22 =	vand.u32 $0x7F, v22;
	v20 =	vand.u32 $0x7F, v25;
	v11 =	vshll.u32 v25, $0x3;
	[tilespmem:v4+s22+$0x0] =	vst.idx.add.f32.msk $0xffff, v8  }
0x25e: {  	v23 =	vand.u32 $0x7F, v23;
	v8 =	vor.u32 v22, v15;
	v25 =	vand.u32 $0xFFFFFC00, v11;
	v22 =	vld.idx.msk [tilespmem:v26+s2+$0x0], $0xffff  }
0x25f: {  	v11 =	vor.u32 v23, v31;
	[tilespmem:v12+s22+$0x0] =	vst.idx.add.f32.msk $0xffff, v24;
	v15 =	vor.u32 v20, v25  }
0x260: {  	v23 =	vor.u32 $0x80, v5;
	v20 =	vld.idx.msk [tilespmem:v29+s2+$0x0], $0xffff  }
0x261: {  	v31 =	vor.u32 $0x100, v13;
	v24 =	vor.u32 $0x80, v12;
	v29 =	vor.u32 $0x80, v10;
	[tilespmem:v18+s22+$0x0] =	vst.idx.add.f32.msk $0xffff, v21  }
0x262: {  	v21 =	vor.u32 $0x100, v14;
	v27 =	vld.idx.msk [tilespmem:v27+s2+$0x0], $0xffff  }
0x263: {  	v25 =	vor.u32 $0x100, v3;
	[tilespmem:v8+s22+$0x0] =	vst.idx.add.f32.msk $0xffff, v28  }
0x264: {  	v33 =	vor.u32 $0x80, v4;
	v26 =	vor.u32 $0x80, v16;
	[tilespmem:v11+s22+$0x0] =	vst.idx.add.f32.msk $0xffff, v30;
	v30 =	vor.u32 $0x80, v9  }
0x265: {  	[tilespmem:v23+s22+$0x0] =	vst.idx.add.f32.msk $0xffff, v22  }
0x266: {  	v28 =	vor.u32 $0x80, v6;
	[tilespmem:v24+s22+$0x0] =	vst.idx.add.f32.msk $0xffff, v20;
	v20 =	vor.u32 $0x100, v7  }
0x267: {  	v21 =	vld.idx.msk [tilespmem:v21+s2+$0x0], $0xffff  }
0x268: {  	v23 =	vor.u32 $0x80, v8;
	v22 =	vld.idx.msk [tilespmem:v32+s2+$0x0], $0xffff  }
0x269: {  	v24 =	vld.idx.msk [tilespmem:v16+s2+$0x0], $0xffff  }
0x26a: {  	[tilespmem:v33+s22+$0x0] =	vst.idx.add.f32.msk $0xffff, v27  }
0x26b: {  	v32 =	vor.u32 $0x100, v4;
	v33 =	vld.idx.msk [tilespmem:v20+s2+$0x0], $0xffff  }
0x26c: {  	v35 =	vor.u32 $0x100, v5;
	v34 =	vld.idx.msk [tilespmem:v30+s2+$0x0], $0xffff  }
0x26d: {  	v36 =	vor.u32 $0x80, v18;
	v31 =	vld.idx.msk [tilespmem:v31+s2+$0x0], $0xffff  }
0x26e: {  	[tilespmem:v23+s22+$0x0] =	vst.idx.add.f32.msk $0xffff, v22  }
.Ltmp5:
0x26f: {  	v20 =	vor.u32 $0x100, v9;
	v29 =	vld.idx.msk [tilespmem:v29+s2+$0x0], $0xffff;
	(pc) =	sbr.rel @p0 .LBB2_12-.Ltmp5, $4  }
0x270: {  	[tilespmem:v15+s22+$0x0] =	vst.idx.add.f32.msk $0xffff, v24  }
0x271: {  	v27 =	vor.u32 $0x100, v10;
	v30 =	vor.u32 $0x80, v11;
	[tilespmem:v35+s22+$0x0] =	vst.idx.add.f32.msk $0xffff, v33  }
0x272: {  	v23 =	vor.u32 $0x100, v12;
	[tilespmem:v36+s22+$0x0] =	vst.idx.add.f32.msk $0xffff, v34  }
0x273: {  	s29 =	simm.s32 $0x770;
	s30 =	simm.s32 $0x1E980;
	s31 =	simm.s32 $0x1E180;
	[tilespmem:v32+s22+$0x0] =	vst.idx.add.f32.msk $0xffff, v31  }
0x274: {  	_ =	sdelay $0x3  }
0x275: {  	v34 =	vld.idx.msk [tilespmem:v20+s2+$0x0], $0xffff  }
0x276: {  	v14 =	vor.u32 $0x180, v14;
	[tilespmem:v23+s22+$0x0] =	vst.idx.add.f32.msk $0xffff, v21  }
0x277: {  	[tilespmem:v30+s22+$0x0] =	vst.idx.add.f32.msk $0xffff, v29;
	v35 =	vor.u32 $0x100, v18  }
0x278: {  	v13 =	vor.u32 $0x180, v13;
	v22 =	vld.idx.msk [tilespmem:v25+s2+$0x0], $0xffff  }
0x279: {  	v24 =	vld.idx.msk [tilespmem:v26+s2+$0x0], $0xffff;
	v39 =	vor.u32 $0x80, v15  }
0x27a: {  	v7 =	vor.u32 $0x180, v7;
	v43 =	vld.idx.msk [tilespmem:v27+s2+$0x0], $0xffff  }
0x27b: {  	v2 =	vand.u32 $0x7F, v2;
	v51 =	vor.u32 $0x100, v8;
	v14 =	vld.idx.msk [tilespmem:v14+s2+$0x0], $0xffff  }
0x27c: {  	v2 =	vor.u32 v2, v17;
	[tilespmem:v35+s22+$0x0] =	vst.idx.add.f32.msk $0xffff, v34  }
0x27d: {  	v41 =	vor.u32 $0x100, v16;
	v13 =	vld.idx.msk [tilespmem:v13+s2+$0x0], $0xffff  }
0x27e: {  	v9 =	vor.u32 $0x180, v9;
	[tilespmem:v39+s22+$0x0] =	vst.idx.add.f32.msk $0xffff, v24  }
0x27f: {  	v44 =	vor.u32 $0x100, v11;
	v7 =	vld.idx.msk [tilespmem:v7+s2+$0x0], $0xffff  }
0x280: {  	v3 =	vor.u32 $0x180, v3;
	[tilespmem:v51+s22+$0x0] =	vst.idx.add.f32.msk $0xffff, v22  }
0x281: {  	[tilespmem:v2+s22+$0x0] =	vst.idx.add.f32.msk $0xffff, v19  }
0x282: {  	v10 =	vor.u32 $0x180, v10;
	v17 =	vld.idx.msk [tilespmem:v41+s2+$0x0], $0xffff  }
0x283: {  	v38 =	vor.u32 $0x180, v12;
	v9 =	vld.idx.msk [tilespmem:v9+s2+$0x0], $0xffff  }
0x284: {  	v54 =	vor.u32 $0x180, v4;
	[tilespmem:v44+s22+$0x0] =	vst.idx.add.f32.msk $0xffff, v43  }
0x285: {  	v55 =	vor.u32 $0x180, v5;
	v3 =	vld.idx.msk [tilespmem:v3+s2+$0x0], $0xffff  }
0x286: {  	v40 =	vor.u32 $0x200, v12;
	v36 =	vld.idx.msk [tilespmem:v28+s2+$0x0], $0xffff  }
0x287: {  	v45 =	vor.u32 $0x100, v15;
	v10 =	vld.idx.msk [tilespmem:v10+s2+$0x0], $0xffff  }
0x288: {  	v47 =	vor.u32 $0x180, v18;
	[tilespmem:v38+s22+$0x0] =	vst.idx.add.f32.msk $0xffff, v14  }
0x289: {  	v56 =	vor.u32 $0x200, v5;
	[tilespmem:v54+s22+$0x0] =	vst.idx.add.f32.msk $0xffff, v13  }
0x28a: {  	v59 =	vor.u32 $0x180, v8;
	[tilespmem:v55+s22+$0x0] =	vst.idx.add.f32.msk $0xffff, v7  }
0x28b: {  	v37 =	vor.u32 $0x80, v2;
	[tilespmem:v40+s22+$0x0] =	vst.idx.add.f32.msk $0xffff, v1  }
0x28c: {  	v42 =	vor.u32 $0x100, v6;
	[tilespmem:v45+s22+$0x0] =	vst.idx.add.f32.msk $0xffff, v17  }
0x28d: {  	v60 =	vor.u32 $0x200, v4;
	[tilespmem:v47+s22+$0x0] =	vst.idx.add.f32.msk $0xffff, v9  }
0x28e: {  	v48 =	vor.u32 $0x200, v18;
	[tilespmem:v56+s22+$0x0] =	vst.idx.add.f32.msk $0xffff, v1  }
0x28f: {  	v49 =	vor.u32 $0x180, v16;
	[tilespmem:v59+s22+$0x0] =	vst.idx.add.f32.msk $0xffff, v3  }
0x290: {  	v52 =	vor.u32 $0x180, v11;
	[tilespmem:v37+s22+$0x0] =	vst.idx.add.f32.msk $0xffff, v36  }
0x291: {  	v46 =	vor.u32 $0x100, v2;
	v14 =	vld.idx.msk [tilespmem:v42+s2+$0x0], $0xffff  }
0x292: {  	v50 =	vor.u32 $0x180, v6;
	[tilespmem:v60+s22+$0x0] =	vst.idx.add.f32.msk $0xffff, v1  }
0x293: {  	v62 =	vor.u32 $0x200, v8;
	[tilespmem:v48+s22+$0x0] =	vst.idx.add.f32.msk $0xffff, v1  }
0x294: {  	v61 =	vor.u32 $0x200, v11;
	v53 =	vld.idx.msk [tilespmem:v49+s2+$0x0], $0xffff  }
0x295: {  	v57 =	vor.u32 $0x180, v15;
	[tilespmem:v52+s22+$0x0] =	vst.idx.add.f32.msk $0xffff, v10  }
0x296: {  	v63 =	vor.u32 $0x200, v15;
	[tilespmem:v46+s22+$0x0] =	vst.idx.add.f32.msk $0xffff, v14  }
0x297: {  	v58 =	vor.u32 $0x180, v2;
	v6 =	vld.idx.msk [tilespmem:v50+s2+$0x0], $0xffff  }
0x298: {  	v2 =	vor.u32 $0x200, v2;
	[tilespmem:v62+s22+$0x0] =	vst.idx.add.f32.msk $0xffff, v1  }
0x299: {  	[tilespmem:v61+s22+$0x0] =	vst.idx.add.f32.msk $0xffff, v1  }
0x29a: {  	[tilespmem:v57+s22+$0x0] =	vst.idx.add.f32.msk $0xffff, v53  }
0x29b: {  	[tilespmem:v63+s22+$0x0] =	vst.idx.add.f32.msk $0xffff, v1  }
0x29c: {  	[tilespmem:v58+s22+$0x0] =	vst.idx.add.f32.msk $0xffff, v6  }
0x29d: {  	[tilespmem:v2+s22+$0x0] =	vst.idx.add.f32.msk $0xffff, v1  }
.LBB2_14:
0x29e: {  	v2 =	vld [tilespmem:s31+$0x0];
	_ =	sdelay $0x4  }
0x29f: {  	v3 =	vld [tilespmem:s30+$0x0];
	v4 =	vshll.u32 v2, $0x2  }
0x2a0: {  	v2 =	vand.u32 $0x7F, v2;
	v4 =	vand.u32 $0xFFFFFE00, v4  }
0x2a1: {  	v2 =	vor.u32 v2, v4;
	_ =	sdelay $0x2  }
0x2a2: {  	v59 =	vshll.u32 v3, $0x3  }
0x2a3: {  	v3 =	vand.u32 $0x7F, v3;
	v4 =	vand.u32 $0xFFFFFC00, v59  }
0x2a4: {  	v3 =	vor.u32 v3, v4;
	v5 =	vld.idx.msk [tilespmem:v2+s2+$0x0], $0xffff  }
0x2a5: {  	v60 =	vor.u32 $0x80, v2;
	_ =	sdelay $0x3  }
0x2a6: {  	[tilespmem:v3+s22+$0x0] =	vst.idx.add.f32.msk $0xffff, v5  }
0x2a7: {  	v61 =	vor.u32 $0x80, v3;
	v4 =	vld.idx.msk [tilespmem:v60+s2+$0x0], $0xffff  }
0x2a8: {  	v6 =	vor.u32 $0x100, v2;
	_ =	sdelay $0x3  }
0x2a9: {  	[tilespmem:v61+s22+$0x0] =	vst.idx.add.f32.msk $0xffff, v4  }
0x2aa: {  	v62 =	vor.u32 $0x100, v3;
	v4 =	vld.idx.msk [tilespmem:v6+s2+$0x0], $0xffff  }
0x2ab: {  	v2 =	vor.u32 $0x180, v2;
	_ =	sdelay $0x3  }
0x2ac: {  	[tilespmem:v62+s22+$0x0] =	vst.idx.add.f32.msk $0xffff, v4  }
0x2ad: {  	s29 =	sadd.s32 $0x10, s29;
	v63 =	vor.u32 $0x180, v3;
	v2 =	vld.idx.msk [tilespmem:v2+s2+$0x0], $0xffff  }
0x2ae: {  	p0 =	slt.u32 s29, $0x7C0;
	v3 =	vor.u32 $0x200, v3  }
.Ltmp6:
0x2af: {  	_ = 	snop;
	(pc) =	sbr.rel @p0 .LBB2_14-.Ltmp6, $3  }
0x2b0: {  	_ =	sdelay $0x1  }
0x2b1: {  	[tilespmem:v63+s22+$0x0] =	vst.idx.add.f32.msk $0xffff, v2  }
0x2b2: {  	s30 =	sadd.s32 $0x10, s30;
	s31 =	sadd.s32 $0x10, s31;
	[tilespmem:v3+s22+$0x0] =	vst.idx.add.f32.msk $0xffff, v1  }
0x2b3: {  	[tilespmem:s16], [sflag:$0x2] =	stream.linear.gather [hbm4b:s12+s2], $0x7D0, $0x38;
	[tilespmem:$0x1FA00] =	vst v63  }
0x2b4: {  	_ = 	snop  }
0x2b5: {  	[tilespmem:s17], [sflag:$0x2] =	stream.linear.gather [hbm4b:s13+s2], $0x7D0, $0x38;
	[tilespmem:$0x1FA00] =	vst v63  }
0x2b6: {  	_ =	swait.ge [sflag:s23], $0x7D0  }
0x2b7: {  	[sflag:s23] =	ssyncset.done $0x0  }
0x2b8: {  	[sflag:s23] =	ssyncadd.s32 $0xFFFFF830  }
0x2b9: {  	_ =	swait.ge [sflag:s23], $0x7D0  }
0x2ba: {  	[sflag:s23] =	ssyncset.done $0x0  }
0x2bb: {  	s26 =	simm.s32 $0x1EA40;
	[sflag:s23] =	ssyncadd.s32 $0xFFFFF830  }
0x2bc: {  	v3 =	vld [tilespmem:s26+$0xFFFFFFD0]  }
0x2bd: {  	v2 =	vld [tilespmem:s26+$0xFFFFFFC0]  }
0x2be: {  	v5 =	vld [tilespmem:s26+$0x20]  }
0x2bf: {  	v8 =	vld [tilespmem:s26+$0x10]  }
0x2c0: {  	v4 =	vld [tilespmem:s26+$0x30]  }
0x2c1: {  	v6 =	vld [tilespmem:s26+$0xFFFFFFE0]  }
0x2c2: {  	s28 =	simm.s32 $0x1F240;
	v10 =	vld [tilespmem:s26+$0x0]  }
0x2c3: {  	v11 =	vld [tilespmem:s28+$0xFFFFFFC0];
	v9 =	vand.u32 $0x7F, v2;
	v7 =	vshll.u32 v2, $0x2;
	v13 =	vand.u32 $0x7F, v5  }
0x2c4: {  	v15 =	vld [tilespmem:s26+$0xFFFFFFF0];
	v5 =	vshll.u32 v5, $0x2;
	v14 =	vshll.u32 v8, $0x2;
	v8 =	vand.u32 $0x7F, v8  }
0x2c5: {  	v16 =	vld [tilespmem:s28+$0x20];
	v19 =	vand.u32 $0x7F, v3;
	v12 =	vand.u32 $0xFFFFFE00, v7;
	v7 =	vshll.u32 v4, $0x2  }
0x2c6: {  	v17 =	vld [tilespmem:s28+$0xFFFFFFD0];
	v4 =	vand.u32 $0x7F, v4;
	v5 =	vand.u32 $0xFFFFFE00, v5;
	v7 =	vand.u32 $0xFFFFFE00, v7  }
0x2c7: {  	v13 =	vor.u32 v13, v5;
	v5 =	vld [tilespmem:s28+$0x30];
	v7 =	vor.u32 v4, v7;
	v4 =	vand.u32 $0xFFFFFE00, v14  }
0x2c8: {  	v20 =	vld [tilespmem:s28+$0x0];
	v14 =	vor.u32 v9, v12;
	v12 =	vshll.u32 v6, $0x2;
	v6 =	vand.u32 $0x7F, v6  }
0x2c9: {  	v18 =	vld [tilespmem:s28+$0x10];
	v9 =	vor.u32 v8, v4;
	v4 =	vshll.u32 v10, $0x2;
	v8 =	vshll.u32 v3, $0x2  }
0x2ca: {  	v24 =	vld [tilespmem:s28+$0xFFFFFFF0];
	v12 =	vand.u32 $0xFFFFFE00, v12;
	v10 =	vand.u32 $0x7F, v10;
	v8 =	vand.u32 $0xFFFFFE00, v8  }
0x2cb: {  	v2 =	vld [tilespmem:s28+$0xFFFFFFE0];
	v4 =	vand.u32 $0xFFFFFE00, v4;
	v6 =	vor.u32 v6, v12;
	v12 =	vshll.u32 v16, $0x3  }
0x2cc: {  	v3 =	vor.u32 v10, v4;
	v10 =	vor.u32 v19, v8;
	v8 =	vld.idx.msk [tilespmem:v13+s2+$0x0], $0xffff;
	v4 =	vshll.u32 v5, $0x3  }
0x2cd: {  	v16 =	vand.u32 $0x7F, v16;
	v5 =	vand.u32 $0x7F, v5;
	v21 =	vld.idx.msk [tilespmem:v7+s2+$0x0], $0xffff;
	v4 =	vand.u32 $0xFFFFFC00, v4  }
0x2ce: {  	v12 =	vand.u32 $0xFFFFFC00, v12;
	v19 =	vshll.u32 v11, $0x3;
	v23 =	vld.idx.msk [tilespmem:v14+s2+$0x0], $0xffff;
	v5 =	vor.u32 v5, v4  }
0x2cf: {  	v11 =	vand.u32 $0x7F, v11;
	v22 =	vld.idx.msk [tilespmem:v9+s2+$0x0], $0xffff;
	v4 =	vor.u32 v16, v12;
	v12 =	vand.u32 $0xFFFFFC00, v19  }
0x2d0: {  	v12 =	vor.u32 v11, v12;
	v19 =	vld.idx.msk [tilespmem:v6+s2+$0x0], $0xffff  }
0x2d1: {  	v27 =	vor.u32 $0x80, v14;
	v11 =	vshll.u32 v18, $0x3;
	v16 =	vld.idx.msk [tilespmem:v3+s2+$0x0], $0xffff  }
0x2d2: {  	v25 =	vor.u32 $0x80, v7;
	v18 =	vand.u32 $0x7F, v18;
	v26 =	vld.idx.msk [tilespmem:v10+s2+$0x0], $0xffff;
	v11 =	vand.u32 $0xFFFFFC00, v11  }
0x2d3: {  	v28 =	vshll.u32 v20, $0x3;
	v20 =	vand.u32 $0x7F, v20;
	v18 =	vor.u32 v18, v11;
	[tilespmem:v5+s22+$0x0] =	vst.idx.add.f32.msk $0xffff, v21  }
0x2d4: {  	v29 =	vor.u32 $0x80, v13;
	v11 =	vand.u32 $0xFFFFFC00, v28;
	v21 =	vshll.u32 v17, $0x3;
	[tilespmem:v4+s22+$0x0] =	vst.idx.add.f32.msk $0xffff, v8  }
0x2d5: {  	v17 =	vand.u32 $0x7F, v17;
	v8 =	vor.u32 v20, v11;
	v21 =	vand.u32 $0xFFFFFC00, v21;
	[tilespmem:v12+s22+$0x0] =	vst.idx.add.f32.msk $0xffff, v23  }
0x2d6: {  	v23 =	vor.u32 $0x80, v12;
	v11 =	vor.u32 v17, v21;
	v17 =	vld.idx.msk [tilespmem:v27+s2+$0x0], $0xffff  }
0x2d7: {  	v20 =	vld.idx.msk [tilespmem:v25+s2+$0x0], $0xffff;
	v21 =	vor.u32 $0x80, v5  }
0x2d8: {  	[tilespmem:v18+s22+$0x0] =	vst.idx.add.f32.msk $0xffff, v22;
	v22 =	vshll.u32 v15, $0x2  }
0x2d9: {  	v25 =	vor.u32 $0x100, v14;
	v27 =	vld.idx.msk [tilespmem:v29+s2+$0x0], $0xffff;
	v15 =	vand.u32 $0x7F, v15;
	v22 =	vand.u32 $0xFFFFFE00, v22  }
0x2da: {  	[tilespmem:v8+s22+$0x0] =	vst.idx.add.f32.msk $0xffff, v16;
	v16 =	vor.u32 v15, v22;
	v15 =	vor.u32 $0x80, v4  }
0x2db: {  	[tilespmem:v23+s22+$0x0] =	vst.idx.add.f32.msk $0xffff, v17;
	v17 =	vor.u32 $0x100, v7  }
0x2dc: {  	[tilespmem:v21+s22+$0x0] =	vst.idx.add.f32.msk $0xffff, v20;
	v20 =	vor.u32 $0x80, v9  }
0x2dd: {  	v28 =	vor.u32 $0x80, v3;
	[tilespmem:v11+s22+$0x0] =	vst.idx.add.f32.msk $0xffff, v26  }
0x2de: {  	v21 =	vld.idx.msk [tilespmem:v25+s2+$0x0], $0xffff;
	v25 =	vshll.u32 v24, $0x3  }
0x2df: {  	v22 =	vor.u32 $0x100, v13;
	v24 =	vand.u32 $0x7F, v24;
	v25 =	vand.u32 $0xFFFFFC00, v25;
	[tilespmem:v15+s22+$0x0] =	vst.idx.add.f32.msk $0xffff, v27  }
0x2e0: {  	v29 =	vor.u32 $0x80, v10;
	v15 =	vor.u32 v24, v25;
	v24 =	vld.idx.msk [tilespmem:v17+s2+$0x0], $0xffff  }
0x2e1: {  	v27 =	vld.idx.msk [tilespmem:v20+s2+$0x0], $0xffff;
	v20 =	vor.u32 $0x100, v5  }
0x2e2: {  	v23 =	vld.idx.msk [tilespmem:v28+s2+$0x0], $0xffff;
	v26 =	vor.u32 $0x80, v8  }
0x2e3: {  	v28 =	vld.idx.msk [tilespmem:v16+s2+$0x0], $0xffff  }
0x2e4: {  	v31 =	vor.u32 $0x100, v4;
	v22 =	vld.idx.msk [tilespmem:v22+s2+$0x0], $0xffff  }
0x2e5: {  	v30 =	vor.u32 $0x80, v18;
	v29 =	vld.idx.msk [tilespmem:v29+s2+$0x0], $0xffff  }
0x2e6: {  	[tilespmem:v20+s22+$0x0] =	vst.idx.add.f32.msk $0xffff, v24;
	v20 =	vor.u32 $0x100, v9  }
0x2e7: {  	[tilespmem:v26+s22+$0x0] =	vst.idx.add.f32.msk $0xffff, v23  }
0x2e8: {  	v25 =	vor.u32 $0x100, v3;
	v17 =	vshll.u32 v2, $0x3;
	[tilespmem:v15+s22+$0x0] =	vst.idx.add.f32.msk $0xffff, v28  }
0x2e9: {  	v26 =	vor.u32 $0x80, v16;
	v23 =	vor.u32 $0x100, v12;
	v17 =	vand.u32 $0xFFFFFC00, v17;
	[tilespmem:v31+s22+$0x0] =	vst.idx.add.f32.msk $0xffff, v22  }
0x2ea: {  	s0 =	simm.s32 $0x0;
	v28 =	vor.u32 $0x80, v6;
	[tilespmem:v30+s22+$0x0] =	vst.idx.add.f32.msk $0xffff, v27;
	v30 =	vor.u32 $0x80, v11;
	v27 =	vor.u32 $0x100, v10  }
.LBB2_16:
0x2eb: {  	s0 =	sadd.s32 $0x80, s0;
	v31 =	vld.idx.msk [tilespmem:v20+s2+$0x0], $0xffff;
	s26 =	sadd.s32 $0x80, s26;
	s28 =	sadd.s32 $0x80, s28  }
0x2ec: {  	v20 =	vld [tilespmem:s26+$0xFFFFFFD0];
	p0 =	slt.u32 s0, $0x700  }
0x2ed: {  	v22 =	vld [tilespmem:s26+$0xFFFFFFE0]  }
0x2ee: {  	v2 =	vand.u32 $0x7F, v2;
	[tilespmem:v23+s22+$0x0] =	vst.idx.add.f32.msk $0xffff, v21  }
0x2ef: {  	v32 =	vor.u32 v2, v17;
	v21 =	vld [tilespmem:s26+$0x0]  }
0x2f0: {  	v23 =	vld [tilespmem:s26+$0x10]  }
0x2f1: {  	v24 =	vld [tilespmem:s26+$0x30]  }
0x2f2: {  	v2 =	vor.u32 $0x180, v14;
	v33 =	vld [tilespmem:s26+$0xFFFFFFC0]  }
0x2f3: {  	[tilespmem:v30+s22+$0x0] =	vst.idx.add.f32.msk $0xffff, v29  }
0x2f4: {  	[tilespmem:v32+s22+$0x0] =	vst.idx.add.f32.msk $0xffff, v19  }
0x2f5: {  	v17 =	vor.u32 $0x100, v18;
	v14 =	vld [tilespmem:s28+$0xFFFFFFC0]  }
0x2f6: {  	v19 =	vld.idx.msk [tilespmem:v28+s2+$0x0], $0xffff  }
0x2f7: {  	v13 =	vor.u32 $0x180, v13;
	v28 =	vld.idx.msk [tilespmem:v2+s2+$0x0], $0xffff  }
0x2f8: {  	v29 =	vor.u32 $0x80, v32;
	v25 =	vld.idx.msk [tilespmem:v25+s2+$0x0], $0xffff  }
0x2f9: {  	v30 =	vor.u32 $0x180, v12;
	v26 =	vld.idx.msk [tilespmem:v26+s2+$0x0], $0xffff  }
0x2fa: {  	v34 =	vor.u32 $0x80, v15;
	[tilespmem:v17+s22+$0x0] =	vst.idx.add.f32.msk $0xffff, v31  }
0x2fb: {  	v12 =	vor.u32 $0x200, v12;
	v2 =	vld [tilespmem:s28+$0xFFFFFFE0]  }
0x2fc: {  	v13 =	vld.idx.msk [tilespmem:v13+s2+$0x0], $0xffff  }
0x2fd: {  	[tilespmem:v29+s22+$0x0] =	vst.idx.add.f32.msk $0xffff, v19;
	v19 =	vor.u32 $0x100, v16  }
0x2fe: {  	[tilespmem:v30+s22+$0x0] =	vst.idx.add.f32.msk $0xffff, v28;
	v28 =	vor.u32 $0x100, v6  }
0x2ff: {  	v7 =	vor.u32 $0x180, v7;
	[tilespmem:v34+s22+$0x0] =	vst.idx.add.f32.msk $0xffff, v26  }
0x300: {  	v9 =	vor.u32 $0x180, v9;
	v17 =	vshll.u32 v2, $0x3;
	[tilespmem:v12+s22+$0x0] =	vst.idx.add.f32.msk $0xffff, v1  }
0x301: {  	v17 =	vand.u32 $0xFFFFFC00, v17;
	v12 =	vld.idx.msk [tilespmem:v27+s2+$0x0], $0xffff  }
0x302: {  	v26 =	vor.u32 $0x100, v11;
	v19 =	vld.idx.msk [tilespmem:v19+s2+$0x0], $0xffff  }
0x303: {  	v27 =	vld.idx.msk [tilespmem:v28+s2+$0x0], $0xffff  }
0x304: {  	v28 =	vor.u32 $0x100, v15;
	v7 =	vld.idx.msk [tilespmem:v7+s2+$0x0], $0xffff  }
0x305: {  	v29 =	vor.u32 $0x100, v32;
	v9 =	vld.idx.msk [tilespmem:v9+s2+$0x0], $0xffff  }
0x306: {  	v10 =	vor.u32 $0x180, v10;
	v30 =	vld [tilespmem:s26+$0x20]  }
0x307: {  	[tilespmem:v26+s22+$0x0] =	vst.idx.add.f32.msk $0xffff, v12;
	v12 =	vor.u32 $0x180, v18  }
0x308: {  	v18 =	vor.u32 $0x200, v18;
	v26 =	vld [tilespmem:s26+$0xFFFFFFF0]  }
0x309: {  	v16 =	vor.u32 $0x180, v16;
	[tilespmem:v28+s22+$0x0] =	vst.idx.add.f32.msk $0xffff, v19  }
0x30a: {  	v6 =	vor.u32 $0x180, v6;
	[tilespmem:v29+s22+$0x0] =	vst.idx.add.f32.msk $0xffff, v27  }
0x30b: {  	v19 =	vor.u32 $0x100, v8;
	v10 =	vld.idx.msk [tilespmem:v10+s2+$0x0], $0xffff  }
0x30c: {  	v27 =	vor.u32 $0x180, v11;
	[tilespmem:v12+s22+$0x0] =	vst.idx.add.f32.msk $0xffff, v9  }
0x30d: {  	v3 =	vor.u32 $0x180, v3;
	[tilespmem:v18+s22+$0x0] =	vst.idx.add.f32.msk $0xffff, v1  }
0x30e: {  	v12 =	vor.u32 $0x180, v4;
	v9 =	vld.idx.msk [tilespmem:v16+s2+$0x0], $0xffff  }
0x30f: {  	v16 =	vor.u32 $0x180, v5;
	v6 =	vld.idx.msk [tilespmem:v6+s2+$0x0], $0xffff  }
0x310: {  	v5 =	vor.u32 $0x200, v5;
	[tilespmem:v19+s22+$0x0] =	vst.idx.add.f32.msk $0xffff, v25  }
0x311: {  	[tilespmem:v27+s22+$0x0] =	vst.idx.add.f32.msk $0xffff, v10;
	v10 =	vor.u32 $0x180, v15  }
0x312: {  	v18 =	vor.u32 $0x180, v32;
	v3 =	vld.idx.msk [tilespmem:v3+s2+$0x0], $0xffff  }
0x313: {  	v19 =	vor.u32 $0x180, v8;
	[tilespmem:v12+s22+$0x0] =	vst.idx.add.f32.msk $0xffff, v13  }
0x314: {  	v4 =	vor.u32 $0x200, v4;
	[tilespmem:v16+s22+$0x0] =	vst.idx.add.f32.msk $0xffff, v7  }
0x315: {  	v7 =	vor.u32 $0x200, v11;
	[tilespmem:v5+s22+$0x0] =	vst.idx.add.f32.msk $0xffff, v1  }
0x316: {  	v5 =	vor.u32 $0x200, v32;
	[tilespmem:v10+s22+$0x0] =	vst.idx.add.f32.msk $0xffff, v9  }
0x317: {  	v8 =	vor.u32 $0x200, v8;
	[tilespmem:v18+s22+$0x0] =	vst.idx.add.f32.msk $0xffff, v6;
	v6 =	vor.u32 $0x200, v15  }
0x318: {  	v9 =	vand.u32 $0x7F, v14;
	v10 =	vshll.u32 v14, $0x3;
	[tilespmem:v19+s22+$0x0] =	vst.idx.add.f32.msk $0xffff, v3  }
0x319: {  	v11 =	vshll.u32 v33, $0x2;
	v10 =	vand.u32 $0xFFFFFC00, v10;
	v3 =	vand.u32 $0x7F, v33;
	[tilespmem:v4+s22+$0x0] =	vst.idx.add.f32.msk $0xffff, v1  }
0x31a: {  	v12 =	vor.u32 v9, v10;
	v9 =	vshll.u32 v24, $0x2;
	v4 =	vand.u32 $0xFFFFFE00, v11;
	[tilespmem:v7+s22+$0x0] =	vst.idx.add.f32.msk $0xffff, v1  }
0x31b: {  	v10 =	vand.u32 $0x7F, v30;
	v11 =	vand.u32 $0x7F, v24;
	v7 =	vshll.u32 v30, $0x2;
	[tilespmem:v5+s22+$0x0] =	vst.idx.add.f32.msk $0xffff, v1  }
0x31c: {  	v14 =	vor.u32 v3, v4;
	v3 =	vshll.u32 v23, $0x2;
	v4 =	vand.u32 $0xFFFFFE00, v7;
	[tilespmem:v8+s22+$0x0] =	vst.idx.add.f32.msk $0xffff, v1  }
0x31d: {  	v5 =	vshll.u32 v21, $0x2;
	v3 =	vand.u32 $0xFFFFFE00, v3;
	v7 =	vand.u32 $0xFFFFFE00, v9;
	[tilespmem:v6+s22+$0x0] =	vst.idx.add.f32.msk $0xffff, v1  }
0x31e: {  	v8 =	vand.u32 $0x7F, v23;
	v7 =	vor.u32 v11, v7;
	v6 =	vshll.u32 v26, $0x2;
	v15 =	vld [tilespmem:s28+$0x20]  }
0x31f: {  	v9 =	vshll.u32 v22, $0x2;
	v11 =	vand.u32 $0x7F, v26;
	v13 =	vor.u32 v10, v4;
	v4 =	vld [tilespmem:s28+$0x30]  }
0x320: {  	v10 =	vshll.u32 v20, $0x2;
	v16 =	vand.u32 $0xFFFFFE00, v9;
	v9 =	vor.u32 v8, v3;
	v23 =	vld [tilespmem:s28+$0xFFFFFFD0]  }
0x321: {  	v5 =	vand.u32 $0xFFFFFE00, v5;
	v8 =	vand.u32 $0xFFFFFE00, v10;
	v3 =	vand.u32 $0x7F, v22;
	v22 =	vld [tilespmem:s28+$0x0]  }
0x322: {  	v19 =	vand.u32 $0x7F, v21;
	v10 =	vand.u32 $0x7F, v20;
	v18 =	vand.u32 $0xFFFFFE00, v6;
	v20 =	vld [tilespmem:s28+$0x10]  }
0x323: {  	v6 =	vor.u32 v3, v16;
	v3 =	vor.u32 v19, v5;
	v16 =	vor.u32 v11, v18;
	v11 =	vld.idx.msk [tilespmem:v7+s2+$0x0], $0xffff  }
0x324: {  	v10 =	vor.u32 v10, v8;
	v5 =	vshll.u32 v15, $0x3;
	v8 =	vld.idx.msk [tilespmem:v13+s2+$0x0], $0xffff;
	v18 =	vshll.u32 v4, $0x3  }
0x325: {  	v19 =	vand.u32 $0xFFFFFC00, v5;
	v4 =	vand.u32 $0x7F, v4;
	v21 =	vld.idx.msk [tilespmem:v9+s2+$0x0], $0xffff;
	v5 =	vand.u32 $0xFFFFFC00, v18  }
0x326: {  	v15 =	vand.u32 $0x7F, v15;
	v24 =	vld.idx.msk [tilespmem:v14+s2+$0x0], $0xffff;
	v18 =	vshll.u32 v22, $0x3;
	v5 =	vor.u32 v4, v5  }
0x327: {  	v27 =	vor.u32 $0x80, v13;
	v4 =	vor.u32 v15, v19;
	v25 =	vld [tilespmem:s28+$0xFFFFFFF0];
	v26 =	vshll.u32 v20, $0x3  }
0x328: {  	v15 =	vand.u32 $0xFFFFFC00, v18;
	v28 =	vld.idx.msk [tilespmem:v3+s2+$0x0], $0xffff;
	v18 =	vand.u32 $0xFFFFFC00, v26;
	v26 =	vor.u32 $0x80, v7  }
0x329: {  	v29 =	vor.u32 $0x80, v14;
	v19 =	vshll.u32 v23, $0x3;
	v30 =	vld.idx.msk [tilespmem:v10+s2+$0x0], $0xffff  }
0x32a: {  	v32 =	vor.u32 $0x80, v3;
	v31 =	vand.u32 $0xFFFFFC00, v19;
	v20 =	vand.u32 $0x7F, v20;
	v19 =	vld.idx.msk [tilespmem:v6+s2+$0x0], $0xffff  }
0x32b: {  	v18 =	vor.u32 v20, v18;
	[tilespmem:v5+s22+$0x0] =	vst.idx.add.f32.msk $0xffff, v11  }
0x32c: {  	v22 =	vand.u32 $0x7F, v22;
	v20 =	vand.u32 $0x7F, v25;
	v11 =	vshll.u32 v25, $0x3;
	[tilespmem:v4+s22+$0x0] =	vst.idx.add.f32.msk $0xffff, v8  }
0x32d: {  	v23 =	vand.u32 $0x7F, v23;
	v8 =	vor.u32 v22, v15;
	v25 =	vand.u32 $0xFFFFFC00, v11;
	v22 =	vld.idx.msk [tilespmem:v26+s2+$0x0], $0xffff  }
0x32e: {  	v11 =	vor.u32 v23, v31;
	[tilespmem:v12+s22+$0x0] =	vst.idx.add.f32.msk $0xffff, v24;
	v15 =	vor.u32 v20, v25  }
0x32f: {  	v23 =	vor.u32 $0x80, v5;
	v20 =	vld.idx.msk [tilespmem:v29+s2+$0x0], $0xffff  }
0x330: {  	v31 =	vor.u32 $0x100, v13;
	v24 =	vor.u32 $0x80, v12;
	v29 =	vor.u32 $0x80, v10;
	[tilespmem:v18+s22+$0x0] =	vst.idx.add.f32.msk $0xffff, v21  }
0x331: {  	v21 =	vor.u32 $0x100, v14;
	v27 =	vld.idx.msk [tilespmem:v27+s2+$0x0], $0xffff  }
0x332: {  	v25 =	vor.u32 $0x100, v3;
	[tilespmem:v8+s22+$0x0] =	vst.idx.add.f32.msk $0xffff, v28  }
0x333: {  	v33 =	vor.u32 $0x80, v4;
	v26 =	vor.u32 $0x80, v16;
	[tilespmem:v11+s22+$0x0] =	vst.idx.add.f32.msk $0xffff, v30;
	v30 =	vor.u32 $0x80, v9  }
0x334: {  	[tilespmem:v23+s22+$0x0] =	vst.idx.add.f32.msk $0xffff, v22  }
0x335: {  	v28 =	vor.u32 $0x80, v6;
	[tilespmem:v24+s22+$0x0] =	vst.idx.add.f32.msk $0xffff, v20;
	v20 =	vor.u32 $0x100, v7  }
0x336: {  	v21 =	vld.idx.msk [tilespmem:v21+s2+$0x0], $0xffff  }
0x337: {  	v23 =	vor.u32 $0x80, v8;
	v22 =	vld.idx.msk [tilespmem:v32+s2+$0x0], $0xffff  }
0x338: {  	v24 =	vld.idx.msk [tilespmem:v16+s2+$0x0], $0xffff  }
0x339: {  	[tilespmem:v33+s22+$0x0] =	vst.idx.add.f32.msk $0xffff, v27  }
0x33a: {  	v32 =	vor.u32 $0x100, v4;
	v33 =	vld.idx.msk [tilespmem:v20+s2+$0x0], $0xffff  }
0x33b: {  	v35 =	vor.u32 $0x100, v5;
	v34 =	vld.idx.msk [tilespmem:v30+s2+$0x0], $0xffff  }
0x33c: {  	v36 =	vor.u32 $0x80, v18;
	v31 =	vld.idx.msk [tilespmem:v31+s2+$0x0], $0xffff  }
0x33d: {  	[tilespmem:v23+s22+$0x0] =	vst.idx.add.f32.msk $0xffff, v22  }
.Ltmp7:
0x33e: {  	v20 =	vor.u32 $0x100, v9;
	v29 =	vld.idx.msk [tilespmem:v29+s2+$0x0], $0xffff;
	(pc) =	sbr.rel @p0 .LBB2_16-.Ltmp7, $4  }
0x33f: {  	[tilespmem:v15+s22+$0x0] =	vst.idx.add.f32.msk $0xffff, v24  }
0x340: {  	v27 =	vor.u32 $0x100, v10;
	v30 =	vor.u32 $0x80, v11;
	[tilespmem:v35+s22+$0x0] =	vst.idx.add.f32.msk $0xffff, v33  }
0x341: {  	v23 =	vor.u32 $0x100, v12;
	[tilespmem:v36+s22+$0x0] =	vst.idx.add.f32.msk $0xffff, v34  }
0x342: {  	s29 =	simm.s32 $0x770;
	s30 =	simm.s32 $0x1F980;
	s31 =	simm.s32 $0x1F180;
	[tilespmem:v32+s22+$0x0] =	vst.idx.add.f32.msk $0xffff, v31  }
0x343: {  	_ =	sdelay $0x3  }
0x344: {  	v34 =	vld.idx.msk [tilespmem:v20+s2+$0x0], $0xffff  }
0x345: {  	v14 =	vor.u32 $0x180, v14;
	[tilespmem:v23+s22+$0x0] =	vst.idx.add.f32.msk $0xffff, v21  }
0x346: {  	[tilespmem:v30+s22+$0x0] =	vst.idx.add.f32.msk $0xffff, v29;
	v35 =	vor.u32 $0x100, v18  }
0x347: {  	v13 =	vor.u32 $0x180, v13;
	v22 =	vld.idx.msk [tilespmem:v25+s2+$0x0], $0xffff  }
0x348: {  	v24 =	vld.idx.msk [tilespmem:v26+s2+$0x0], $0xffff;
	v39 =	vor.u32 $0x80, v15  }
0x349: {  	v7 =	vor.u32 $0x180, v7;
	v43 =	vld.idx.msk [tilespmem:v27+s2+$0x0], $0xffff  }
0x34a: {  	v2 =	vand.u32 $0x7F, v2;
	v51 =	vor.u32 $0x100, v8;
	v14 =	vld.idx.msk [tilespmem:v14+s2+$0x0], $0xffff  }
0x34b: {  	v2 =	vor.u32 v2, v17;
	[tilespmem:v35+s22+$0x0] =	vst.idx.add.f32.msk $0xffff, v34  }
0x34c: {  	v41 =	vor.u32 $0x100, v16;
	v13 =	vld.idx.msk [tilespmem:v13+s2+$0x0], $0xffff  }
0x34d: {  	v9 =	vor.u32 $0x180, v9;
	[tilespmem:v39+s22+$0x0] =	vst.idx.add.f32.msk $0xffff, v24  }
0x34e: {  	v44 =	vor.u32 $0x100, v11;
	v7 =	vld.idx.msk [tilespmem:v7+s2+$0x0], $0xffff  }
0x34f: {  	v3 =	vor.u32 $0x180, v3;
	[tilespmem:v51+s22+$0x0] =	vst.idx.add.f32.msk $0xffff, v22  }
0x350: {  	[tilespmem:v2+s22+$0x0] =	vst.idx.add.f32.msk $0xffff, v19  }
0x351: {  	v10 =	vor.u32 $0x180, v10;
	v17 =	vld.idx.msk [tilespmem:v41+s2+$0x0], $0xffff  }
0x352: {  	v38 =	vor.u32 $0x180, v12;
	v9 =	vld.idx.msk [tilespmem:v9+s2+$0x0], $0xffff  }
0x353: {  	v54 =	vor.u32 $0x180, v4;
	[tilespmem:v44+s22+$0x0] =	vst.idx.add.f32.msk $0xffff, v43  }
0x354: {  	v55 =	vor.u32 $0x180, v5;
	v3 =	vld.idx.msk [tilespmem:v3+s2+$0x0], $0xffff  }
0x355: {  	v40 =	vor.u32 $0x200, v12;
	v36 =	vld.idx.msk [tilespmem:v28+s2+$0x0], $0xffff  }
0x356: {  	v45 =	vor.u32 $0x100, v15;
	v10 =	vld.idx.msk [tilespmem:v10+s2+$0x0], $0xffff  }
0x357: {  	v47 =	vor.u32 $0x180, v18;
	[tilespmem:v38+s22+$0x0] =	vst.idx.add.f32.msk $0xffff, v14  }
0x358: {  	v56 =	vor.u32 $0x200, v5;
	[tilespmem:v54+s22+$0x0] =	vst.idx.add.f32.msk $0xffff, v13  }
0x359: {  	v59 =	vor.u32 $0x180, v8;
	[tilespmem:v55+s22+$0x0] =	vst.idx.add.f32.msk $0xffff, v7  }
0x35a: {  	v37 =	vor.u32 $0x80, v2;
	[tilespmem:v40+s22+$0x0] =	vst.idx.add.f32.msk $0xffff, v1  }
0x35b: {  	v42 =	vor.u32 $0x100, v6;
	[tilespmem:v45+s22+$0x0] =	vst.idx.add.f32.msk $0xffff, v17  }
0x35c: {  	v60 =	vor.u32 $0x200, v4;
	[tilespmem:v47+s22+$0x0] =	vst.idx.add.f32.msk $0xffff, v9  }
0x35d: {  	v48 =	vor.u32 $0x200, v18;
	[tilespmem:v56+s22+$0x0] =	vst.idx.add.f32.msk $0xffff, v1  }
0x35e: {  	v49 =	vor.u32 $0x180, v16;
	[tilespmem:v59+s22+$0x0] =	vst.idx.add.f32.msk $0xffff, v3  }
0x35f: {  	v52 =	vor.u32 $0x180, v11;
	[tilespmem:v37+s22+$0x0] =	vst.idx.add.f32.msk $0xffff, v36  }
0x360: {  	v46 =	vor.u32 $0x100, v2;
	v14 =	vld.idx.msk [tilespmem:v42+s2+$0x0], $0xffff  }
0x361: {  	v50 =	vor.u32 $0x180, v6;
	[tilespmem:v60+s22+$0x0] =	vst.idx.add.f32.msk $0xffff, v1  }
0x362: {  	v62 =	vor.u32 $0x200, v8;
	[tilespmem:v48+s22+$0x0] =	vst.idx.add.f32.msk $0xffff, v1  }
0x363: {  	v61 =	vor.u32 $0x200, v11;
	v53 =	vld.idx.msk [tilespmem:v49+s2+$0x0], $0xffff  }
0x364: {  	v57 =	vor.u32 $0x180, v15;
	[tilespmem:v52+s22+$0x0] =	vst.idx.add.f32.msk $0xffff, v10  }
0x365: {  	v63 =	vor.u32 $0x200, v15;
	[tilespmem:v46+s22+$0x0] =	vst.idx.add.f32.msk $0xffff, v14  }
0x366: {  	v58 =	vor.u32 $0x180, v2;
	v6 =	vld.idx.msk [tilespmem:v50+s2+$0x0], $0xffff  }
0x367: {  	v2 =	vor.u32 $0x200, v2;
	[tilespmem:v62+s22+$0x0] =	vst.idx.add.f32.msk $0xffff, v1  }
0x368: {  	[tilespmem:v61+s22+$0x0] =	vst.idx.add.f32.msk $0xffff, v1  }
0x369: {  	[tilespmem:v57+s22+$0x0] =	vst.idx.add.f32.msk $0xffff, v53  }
0x36a: {  	[tilespmem:v63+s22+$0x0] =	vst.idx.add.f32.msk $0xffff, v1  }
0x36b: {  	[tilespmem:v58+s22+$0x0] =	vst.idx.add.f32.msk $0xffff, v6  }
0x36c: {  	[tilespmem:v2+s22+$0x0] =	vst.idx.add.f32.msk $0xffff, v1  }
.LBB2_18:
0x36d: {  	v2 =	vld [tilespmem:s31+$0x0];
	_ =	sdelay $0x4  }
0x36e: {  	v3 =	vld [tilespmem:s30+$0x0];
	v4 =	vshll.u32 v2, $0x2  }
0x36f: {  	v2 =	vand.u32 $0x7F, v2;
	v4 =	vand.u32 $0xFFFFFE00, v4  }
0x370: {  	v2 =	vor.u32 v2, v4;
	_ =	sdelay $0x2  }
0x371: {  	v59 =	vshll.u32 v3, $0x3  }
0x372: {  	v3 =	vand.u32 $0x7F, v3;
	v4 =	vand.u32 $0xFFFFFC00, v59  }
0x373: {  	v3 =	vor.u32 v3, v4;
	v5 =	vld.idx.msk [tilespmem:v2+s2+$0x0], $0xffff  }
0x374: {  	v60 =	vor.u32 $0x80, v2;
	_ =	sdelay $0x3  }
0x375: {  	[tilespmem:v3+s22+$0x0] =	vst.idx.add.f32.msk $0xffff, v5  }
0x376: {  	v61 =	vor.u32 $0x80, v3;
	v4 =	vld.idx.msk [tilespmem:v60+s2+$0x0], $0xffff  }
0x377: {  	v6 =	vor.u32 $0x100, v2;
	_ =	sdelay $0x3  }
0x378: {  	[tilespmem:v61+s22+$0x0] =	vst.idx.add.f32.msk $0xffff, v4  }
0x379: {  	v62 =	vor.u32 $0x100, v3;
	v4 =	vld.idx.msk [tilespmem:v6+s2+$0x0], $0xffff  }
0x37a: {  	v2 =	vor.u32 $0x180, v2;
	_ =	sdelay $0x3  }
0x37b: {  	[tilespmem:v62+s22+$0x0] =	vst.idx.add.f32.msk $0xffff, v4  }
0x37c: {  	s29 =	sadd.s32 $0x10, s29;
	v63 =	vor.u32 $0x180, v3;
	v2 =	vld.idx.msk [tilespmem:v2+s2+$0x0], $0xffff  }
0x37d: {  	p0 =	slt.u32 s29, $0x7C0;
	v3 =	vor.u32 $0x200, v3  }
.Ltmp8:
0x37e: {  	_ = 	snop;
	(pc) =	sbr.rel @p0 .LBB2_18-.Ltmp8, $3  }
0x37f: {  	_ =	sdelay $0x1  }
0x380: {  	[tilespmem:v63+s22+$0x0] =	vst.idx.add.f32.msk $0xffff, v2  }
0x381: {  	s30 =	sadd.s32 $0x10, s30;
	s31 =	sadd.s32 $0x10, s31;
	[tilespmem:v3+s22+$0x0] =	vst.idx.add.f32.msk $0xffff, v1  }
0x382: {  	_ =	swait.ge [sflag:s21], $0x7D0  }
0x383: {  	[sflag:s21] =	ssyncset.done $0x0  }
0x384: {  	[sflag:s21] =	ssyncadd.s32 $0xFFFFF830  }
0x385: {  	_ =	swait.ge [sflag:s21], $0x7D0  }
0x386: {  	[sflag:s21] =	ssyncset.done $0x0  }
0x387: {  	s26 =	simm.s32 $0x1DA40;
	[sflag:s21] =	ssyncadd.s32 $0xFFFFF830  }
0x388: {  	v3 =	vld [tilespmem:s26+$0xFFFFFFD0]  }
0x389: {  	v2 =	vld [tilespmem:s26+$0xFFFFFFC0]  }
0x38a: {  	v5 =	vld [tilespmem:s26+$0x20]  }
0x38b: {  	v8 =	vld [tilespmem:s26+$0x10]  }
0x38c: {  	v4 =	vld [tilespmem:s26+$0x30]  }
0x38d: {  	v6 =	vld [tilespmem:s26+$0xFFFFFFE0]  }
0x38e: {  	s28 =	simm.s32 $0x1E240;
	v10 =	vld [tilespmem:s26+$0x0]  }
0x38f: {  	v11 =	vld [tilespmem:s28+$0xFFFFFFC0];
	v9 =	vand.u32 $0x7F, v2;
	v7 =	vshll.u32 v2, $0x2;
	v13 =	vand.u32 $0x7F, v5  }
0x390: {  	v15 =	vld [tilespmem:s26+$0xFFFFFFF0];
	v5 =	vshll.u32 v5, $0x2;
	v14 =	vshll.u32 v8, $0x2;
	v8 =	vand.u32 $0x7F, v8  }
0x391: {  	v16 =	vld [tilespmem:s28+$0x20];
	v19 =	vand.u32 $0x7F, v3;
	v12 =	vand.u32 $0xFFFFFE00, v7;
	v7 =	vshll.u32 v4, $0x2  }
0x392: {  	v17 =	vld [tilespmem:s28+$0xFFFFFFD0];
	v4 =	vand.u32 $0x7F, v4;
	v5 =	vand.u32 $0xFFFFFE00, v5;
	v7 =	vand.u32 $0xFFFFFE00, v7  }
0x393: {  	v13 =	vor.u32 v13, v5;
	v5 =	vld [tilespmem:s28+$0x30];
	v7 =	vor.u32 v4, v7;
	v4 =	vand.u32 $0xFFFFFE00, v14  }
0x394: {  	v20 =	vld [tilespmem:s28+$0x0];
	v14 =	vor.u32 v9, v12;
	v12 =	vshll.u32 v6, $0x2;
	v6 =	vand.u32 $0x7F, v6  }
0x395: {  	v18 =	vld [tilespmem:s28+$0x10];
	v9 =	vor.u32 v8, v4;
	v4 =	vshll.u32 v10, $0x2;
	v8 =	vshll.u32 v3, $0x2  }
0x396: {  	v24 =	vld [tilespmem:s28+$0xFFFFFFF0];
	v12 =	vand.u32 $0xFFFFFE00, v12;
	v10 =	vand.u32 $0x7F, v10;
	v8 =	vand.u32 $0xFFFFFE00, v8  }
0x397: {  	v2 =	vld [tilespmem:s28+$0xFFFFFFE0];
	v4 =	vand.u32 $0xFFFFFE00, v4;
	v6 =	vor.u32 v6, v12;
	v12 =	vshll.u32 v16, $0x3  }
0x398: {  	v3 =	vor.u32 v10, v4;
	v10 =	vor.u32 v19, v8;
	v8 =	vld.idx.msk [tilespmem:v13+s2+$0x0], $0xffff;
	v4 =	vshll.u32 v5, $0x3  }
0x399: {  	v16 =	vand.u32 $0x7F, v16;
	v5 =	vand.u32 $0x7F, v5;
	v21 =	vld.idx.msk [tilespmem:v7+s2+$0x0], $0xffff;
	v4 =	vand.u32 $0xFFFFFC00, v4  }
0x39a: {  	v12 =	vand.u32 $0xFFFFFC00, v12;
	v19 =	vshll.u32 v11, $0x3;
	v23 =	vld.idx.msk [tilespmem:v14+s2+$0x0], $0xffff;
	v5 =	vor.u32 v5, v4  }
0x39b: {  	v11 =	vand.u32 $0x7F, v11;
	v22 =	vld.idx.msk [tilespmem:v9+s2+$0x0], $0xffff;
	v4 =	vor.u32 v16, v12;
	v12 =	vand.u32 $0xFFFFFC00, v19  }
0x39c: {  	v12 =	vor.u32 v11, v12;
	v19 =	vld.idx.msk [tilespmem:v6+s2+$0x0], $0xffff  }
0x39d: {  	v27 =	vor.u32 $0x80, v14;
	v11 =	vshll.u32 v18, $0x3;
	v16 =	vld.idx.msk [tilespmem:v3+s2+$0x0], $0xffff  }
0x39e: {  	v25 =	vor.u32 $0x80, v7;
	v18 =	vand.u32 $0x7F, v18;
	v26 =	vld.idx.msk [tilespmem:v10+s2+$0x0], $0xffff;
	v11 =	vand.u32 $0xFFFFFC00, v11  }
0x39f: {  	v28 =	vshll.u32 v20, $0x3;
	v20 =	vand.u32 $0x7F, v20;
	v18 =	vor.u32 v18, v11;
	[tilespmem:v5+s22+$0x0] =	vst.idx.add.f32.msk $0xffff, v21  }
0x3a0: {  	v29 =	vor.u32 $0x80, v13;
	v11 =	vand.u32 $0xFFFFFC00, v28;
	v21 =	vshll.u32 v17, $0x3;
	[tilespmem:v4+s22+$0x0] =	vst.idx.add.f32.msk $0xffff, v8  }
0x3a1: {  	v17 =	vand.u32 $0x7F, v17;
	v8 =	vor.u32 v20, v11;
	v21 =	vand.u32 $0xFFFFFC00, v21;
	[tilespmem:v12+s22+$0x0] =	vst.idx.add.f32.msk $0xffff, v23  }
0x3a2: {  	v23 =	vor.u32 $0x80, v12;
	v11 =	vor.u32 v17, v21;
	v17 =	vld.idx.msk [tilespmem:v27+s2+$0x0], $0xffff  }
0x3a3: {  	v20 =	vld.idx.msk [tilespmem:v25+s2+$0x0], $0xffff;
	v21 =	vor.u32 $0x80, v5  }
0x3a4: {  	[tilespmem:v18+s22+$0x0] =	vst.idx.add.f32.msk $0xffff, v22;
	v22 =	vshll.u32 v15, $0x2  }
0x3a5: {  	v25 =	vor.u32 $0x100, v14;
	v27 =	vld.idx.msk [tilespmem:v29+s2+$0x0], $0xffff;
	v15 =	vand.u32 $0x7F, v15;
	v22 =	vand.u32 $0xFFFFFE00, v22  }
0x3a6: {  	[tilespmem:v8+s22+$0x0] =	vst.idx.add.f32.msk $0xffff, v16;
	v16 =	vor.u32 v15, v22;
	v15 =	vor.u32 $0x80, v4  }
0x3a7: {  	[tilespmem:v23+s22+$0x0] =	vst.idx.add.f32.msk $0xffff, v17;
	v17 =	vor.u32 $0x100, v7  }
0x3a8: {  	[tilespmem:v21+s22+$0x0] =	vst.idx.add.f32.msk $0xffff, v20;
	v20 =	vor.u32 $0x80, v9  }
0x3a9: {  	v28 =	vor.u32 $0x80, v3;
	[tilespmem:v11+s22+$0x0] =	vst.idx.add.f32.msk $0xffff, v26  }
0x3aa: {  	v21 =	vld.idx.msk [tilespmem:v25+s2+$0x0], $0xffff;
	v25 =	vshll.u32 v24, $0x3  }
0x3ab: {  	v22 =	vor.u32 $0x100, v13;
	v24 =	vand.u32 $0x7F, v24;
	v25 =	vand.u32 $0xFFFFFC00, v25;
	[tilespmem:v15+s22+$0x0] =	vst.idx.add.f32.msk $0xffff, v27  }
0x3ac: {  	v29 =	vor.u32 $0x80, v10;
	v15 =	vor.u32 v24, v25;
	v24 =	vld.idx.msk [tilespmem:v17+s2+$0x0], $0xffff  }
0x3ad: {  	v27 =	vld.idx.msk [tilespmem:v20+s2+$0x0], $0xffff;
	v20 =	vor.u32 $0x100, v5  }
0x3ae: {  	v23 =	vld.idx.msk [tilespmem:v28+s2+$0x0], $0xffff;
	v26 =	vor.u32 $0x80, v8  }
0x3af: {  	v28 =	vld.idx.msk [tilespmem:v16+s2+$0x0], $0xffff  }
0x3b0: {  	v31 =	vor.u32 $0x100, v4;
	v22 =	vld.idx.msk [tilespmem:v22+s2+$0x0], $0xffff  }
0x3b1: {  	v30 =	vor.u32 $0x80, v18;
	v29 =	vld.idx.msk [tilespmem:v29+s2+$0x0], $0xffff  }
0x3b2: {  	[tilespmem:v20+s22+$0x0] =	vst.idx.add.f32.msk $0xffff, v24;
	v20 =	vor.u32 $0x100, v9  }
0x3b3: {  	[tilespmem:v26+s22+$0x0] =	vst.idx.add.f32.msk $0xffff, v23  }
0x3b4: {  	v25 =	vor.u32 $0x100, v3;
	v17 =	vshll.u32 v2, $0x3;
	[tilespmem:v15+s22+$0x0] =	vst.idx.add.f32.msk $0xffff, v28  }
0x3b5: {  	v26 =	vor.u32 $0x80, v16;
	v23 =	vor.u32 $0x100, v12;
	v17 =	vand.u32 $0xFFFFFC00, v17;
	[tilespmem:v31+s22+$0x0] =	vst.idx.add.f32.msk $0xffff, v22  }
0x3b6: {  	s0 =	simm.s32 $0x0;
	v28 =	vor.u32 $0x80, v6;
	[tilespmem:v30+s22+$0x0] =	vst.idx.add.f32.msk $0xffff, v27;
	v30 =	vor.u32 $0x80, v11;
	v27 =	vor.u32 $0x100, v10  }
.LBB2_20:
0x3b7: {  	s0 =	sadd.s32 $0x80, s0;
	v31 =	vld.idx.msk [tilespmem:v20+s2+$0x0], $0xffff;
	s26 =	sadd.s32 $0x80, s26;
	s28 =	sadd.s32 $0x80, s28  }
0x3b8: {  	v20 =	vld [tilespmem:s26+$0xFFFFFFD0];
	p0 =	slt.u32 s0, $0x700  }
0x3b9: {  	v22 =	vld [tilespmem:s26+$0xFFFFFFE0]  }
0x3ba: {  	v2 =	vand.u32 $0x7F, v2;
	[tilespmem:v23+s22+$0x0] =	vst.idx.add.f32.msk $0xffff, v21  }
0x3bb: {  	v32 =	vor.u32 v2, v17;
	v21 =	vld [tilespmem:s26+$0x0]  }
0x3bc: {  	v23 =	vld [tilespmem:s26+$0x10]  }
0x3bd: {  	v24 =	vld [tilespmem:s26+$0x30]  }
0x3be: {  	v2 =	vor.u32 $0x180, v14;
	v33 =	vld [tilespmem:s26+$0xFFFFFFC0]  }
0x3bf: {  	[tilespmem:v30+s22+$0x0] =	vst.idx.add.f32.msk $0xffff, v29  }
0x3c0: {  	[tilespmem:v32+s22+$0x0] =	vst.idx.add.f32.msk $0xffff, v19  }
0x3c1: {  	v17 =	vor.u32 $0x100, v18;
	v14 =	vld [tilespmem:s28+$0xFFFFFFC0]  }
0x3c2: {  	v19 =	vld.idx.msk [tilespmem:v28+s2+$0x0], $0xffff  }
0x3c3: {  	v13 =	vor.u32 $0x180, v13;
	v28 =	vld.idx.msk [tilespmem:v2+s2+$0x0], $0xffff  }
0x3c4: {  	v29 =	vor.u32 $0x80, v32;
	v25 =	vld.idx.msk [tilespmem:v25+s2+$0x0], $0xffff  }
0x3c5: {  	v30 =	vor.u32 $0x180, v12;
	v26 =	vld.idx.msk [tilespmem:v26+s2+$0x0], $0xffff  }
0x3c6: {  	v34 =	vor.u32 $0x80, v15;
	[tilespmem:v17+s22+$0x0] =	vst.idx.add.f32.msk $0xffff, v31  }
0x3c7: {  	v12 =	vor.u32 $0x200, v12;
	v2 =	vld [tilespmem:s28+$0xFFFFFFE0]  }
0x3c8: {  	v13 =	vld.idx.msk [tilespmem:v13+s2+$0x0], $0xffff  }
0x3c9: {  	[tilespmem:v29+s22+$0x0] =	vst.idx.add.f32.msk $0xffff, v19;
	v19 =	vor.u32 $0x100, v16  }
0x3ca: {  	[tilespmem:v30+s22+$0x0] =	vst.idx.add.f32.msk $0xffff, v28;
	v28 =	vor.u32 $0x100, v6  }
0x3cb: {  	v7 =	vor.u32 $0x180, v7;
	[tilespmem:v34+s22+$0x0] =	vst.idx.add.f32.msk $0xffff, v26  }
0x3cc: {  	v9 =	vor.u32 $0x180, v9;
	v17 =	vshll.u32 v2, $0x3;
	[tilespmem:v12+s22+$0x0] =	vst.idx.add.f32.msk $0xffff, v1  }
0x3cd: {  	v17 =	vand.u32 $0xFFFFFC00, v17;
	v12 =	vld.idx.msk [tilespmem:v27+s2+$0x0], $0xffff  }
0x3ce: {  	v26 =	vor.u32 $0x100, v11;
	v19 =	vld.idx.msk [tilespmem:v19+s2+$0x0], $0xffff  }
0x3cf: {  	v27 =	vld.idx.msk [tilespmem:v28+s2+$0x0], $0xffff  }
0x3d0: {  	v28 =	vor.u32 $0x100, v15;
	v7 =	vld.idx.msk [tilespmem:v7+s2+$0x0], $0xffff  }
0x3d1: {  	v29 =	vor.u32 $0x100, v32;
	v9 =	vld.idx.msk [tilespmem:v9+s2+$0x0], $0xffff  }
0x3d2: {  	v10 =	vor.u32 $0x180, v10;
	v30 =	vld [tilespmem:s26+$0x20]  }
0x3d3: {  	[tilespmem:v26+s22+$0x0] =	vst.idx.add.f32.msk $0xffff, v12;
	v12 =	vor.u32 $0x180, v18  }
0x3d4: {  	v18 =	vor.u32 $0x200, v18;
	v26 =	vld [tilespmem:s26+$0xFFFFFFF0]  }
0x3d5: {  	v16 =	vor.u32 $0x180, v16;
	[tilespmem:v28+s22+$0x0] =	vst.idx.add.f32.msk $0xffff, v19  }
0x3d6: {  	v6 =	vor.u32 $0x180, v6;
	[tilespmem:v29+s22+$0x0] =	vst.idx.add.f32.msk $0xffff, v27  }
0x3d7: {  	v19 =	vor.u32 $0x100, v8;
	v10 =	vld.idx.msk [tilespmem:v10+s2+$0x0], $0xffff  }
0x3d8: {  	v27 =	vor.u32 $0x180, v11;
	[tilespmem:v12+s22+$0x0] =	vst.idx.add.f32.msk $0xffff, v9  }
0x3d9: {  	v3 =	vor.u32 $0x180, v3;
	[tilespmem:v18+s22+$0x0] =	vst.idx.add.f32.msk $0xffff, v1  }
0x3da: {  	v12 =	vor.u32 $0x180, v4;
	v9 =	vld.idx.msk [tilespmem:v16+s2+$0x0], $0xffff  }
0x3db: {  	v16 =	vor.u32 $0x180, v5;
	v6 =	vld.idx.msk [tilespmem:v6+s2+$0x0], $0xffff  }
0x3dc: {  	v5 =	vor.u32 $0x200, v5;
	[tilespmem:v19+s22+$0x0] =	vst.idx.add.f32.msk $0xffff, v25  }
0x3dd: {  	[tilespmem:v27+s22+$0x0] =	vst.idx.add.f32.msk $0xffff, v10;
	v10 =	vor.u32 $0x180, v15  }
0x3de: {  	v18 =	vor.u32 $0x180, v32;
	v3 =	vld.idx.msk [tilespmem:v3+s2+$0x0], $0xffff  }
0x3df: {  	v19 =	vor.u32 $0x180, v8;
	[tilespmem:v12+s22+$0x0] =	vst.idx.add.f32.msk $0xffff, v13  }
0x3e0: {  	v4 =	vor.u32 $0x200, v4;
	[tilespmem:v16+s22+$0x0] =	vst.idx.add.f32.msk $0xffff, v7  }
0x3e1: {  	v7 =	vor.u32 $0x200, v11;
	[tilespmem:v5+s22+$0x0] =	vst.idx.add.f32.msk $0xffff, v1  }
0x3e2: {  	v5 =	vor.u32 $0x200, v32;
	[tilespmem:v10+s22+$0x0] =	vst.idx.add.f32.msk $0xffff, v9  }
0x3e3: {  	v8 =	vor.u32 $0x200, v8;
	[tilespmem:v18+s22+$0x0] =	vst.idx.add.f32.msk $0xffff, v6;
	v6 =	vor.u32 $0x200, v15  }
0x3e4: {  	v9 =	vand.u32 $0x7F, v14;
	v10 =	vshll.u32 v14, $0x3;
	[tilespmem:v19+s22+$0x0] =	vst.idx.add.f32.msk $0xffff, v3  }
0x3e5: {  	v11 =	vshll.u32 v33, $0x2;
	v10 =	vand.u32 $0xFFFFFC00, v10;
	v3 =	vand.u32 $0x7F, v33;
	[tilespmem:v4+s22+$0x0] =	vst.idx.add.f32.msk $0xffff, v1  }
0x3e6: {  	v12 =	vor.u32 v9, v10;
	v9 =	vshll.u32 v24, $0x2;
	v4 =	vand.u32 $0xFFFFFE00, v11;
	[tilespmem:v7+s22+$0x0] =	vst.idx.add.f32.msk $0xffff, v1  }
0x3e7: {  	v10 =	vand.u32 $0x7F, v30;
	v11 =	vand.u32 $0x7F, v24;
	v7 =	vshll.u32 v30, $0x2;
	[tilespmem:v5+s22+$0x0] =	vst.idx.add.f32.msk $0xffff, v1  }
0x3e8: {  	v14 =	vor.u32 v3, v4;
	v3 =	vshll.u32 v23, $0x2;
	v4 =	vand.u32 $0xFFFFFE00, v7;
	[tilespmem:v8+s22+$0x0] =	vst.idx.add.f32.msk $0xffff, v1  }
0x3e9: {  	v5 =	vshll.u32 v21, $0x2;
	v3 =	vand.u32 $0xFFFFFE00, v3;
	v7 =	vand.u32 $0xFFFFFE00, v9;
	[tilespmem:v6+s22+$0x0] =	vst.idx.add.f32.msk $0xffff, v1  }
0x3ea: {  	v8 =	vand.u32 $0x7F, v23;
	v7 =	vor.u32 v11, v7;
	v6 =	vshll.u32 v26, $0x2;
	v15 =	vld [tilespmem:s28+$0x20]  }
0x3eb: {  	v9 =	vshll.u32 v22, $0x2;
	v11 =	vand.u32 $0x7F, v26;
	v13 =	vor.u32 v10, v4;
	v4 =	vld [tilespmem:s28+$0x30]  }
0x3ec: {  	v10 =	vshll.u32 v20, $0x2;
	v16 =	vand.u32 $0xFFFFFE00, v9;
	v9 =	vor.u32 v8, v3;
	v23 =	vld [tilespmem:s28+$0xFFFFFFD0]  }
0x3ed: {  	v5 =	vand.u32 $0xFFFFFE00, v5;
	v8 =	vand.u32 $0xFFFFFE00, v10;
	v3 =	vand.u32 $0x7F, v22;
	v22 =	vld [tilespmem:s28+$0x0]  }
0x3ee: {  	v19 =	vand.u32 $0x7F, v21;
	v10 =	vand.u32 $0x7F, v20;
	v18 =	vand.u32 $0xFFFFFE00, v6;
	v20 =	vld [tilespmem:s28+$0x10]  }
0x3ef: {  	v6 =	vor.u32 v3, v16;
	v3 =	vor.u32 v19, v5;
	v16 =	vor.u32 v11, v18;
	v11 =	vld.idx.msk [tilespmem:v7+s2+$0x0], $0xffff  }
0x3f0: {  	v10 =	vor.u32 v10, v8;
	v5 =	vshll.u32 v15, $0x3;
	v8 =	vld.idx.msk [tilespmem:v13+s2+$0x0], $0xffff;
	v18 =	vshll.u32 v4, $0x3  }
0x3f1: {  	v19 =	vand.u32 $0xFFFFFC00, v5;
	v4 =	vand.u32 $0x7F, v4;
	v21 =	vld.idx.msk [tilespmem:v9+s2+$0x0], $0xffff;
	v5 =	vand.u32 $0xFFFFFC00, v18  }
0x3f2: {  	v15 =	vand.u32 $0x7F, v15;
	v24 =	vld.idx.msk [tilespmem:v14+s2+$0x0], $0xffff;
	v18 =	vshll.u32 v22, $0x3;
	v5 =	vor.u32 v4, v5  }
0x3f3: {  	v27 =	vor.u32 $0x80, v13;
	v4 =	vor.u32 v15, v19;
	v25 =	vld [tilespmem:s28+$0xFFFFFFF0];
	v26 =	vshll.u32 v20, $0x3  }
0x3f4: {  	v15 =	vand.u32 $0xFFFFFC00, v18;
	v28 =	vld.idx.msk [tilespmem:v3+s2+$0x0], $0xffff;
	v18 =	vand.u32 $0xFFFFFC00, v26;
	v26 =	vor.u32 $0x80, v7  }
0x3f5: {  	v29 =	vor.u32 $0x80, v14;
	v19 =	vshll.u32 v23, $0x3;
	v30 =	vld.idx.msk [tilespmem:v10+s2+$0x0], $0xffff  }
0x3f6: {  	v32 =	vor.u32 $0x80, v3;
	v31 =	vand.u32 $0xFFFFFC00, v19;
	v20 =	vand.u32 $0x7F, v20;
	v19 =	vld.idx.msk [tilespmem:v6+s2+$0x0], $0xffff  }
0x3f7: {  	v18 =	vor.u32 v20, v18;
	[tilespmem:v5+s22+$0x0] =	vst.idx.add.f32.msk $0xffff, v11  }
0x3f8: {  	v22 =	vand.u32 $0x7F, v22;
	v20 =	vand.u32 $0x7F, v25;
	v11 =	vshll.u32 v25, $0x3;
	[tilespmem:v4+s22+$0x0] =	vst.idx.add.f32.msk $0xffff, v8  }
0x3f9: {  	v23 =	vand.u32 $0x7F, v23;
	v8 =	vor.u32 v22, v15;
	v25 =	vand.u32 $0xFFFFFC00, v11;
	v22 =	vld.idx.msk [tilespmem:v26+s2+$0x0], $0xffff  }
0x3fa: {  	v11 =	vor.u32 v23, v31;
	[tilespmem:v12+s22+$0x0] =	vst.idx.add.f32.msk $0xffff, v24;
	v15 =	vor.u32 v20, v25  }
0x3fb: {  	v23 =	vor.u32 $0x80, v5;
	v20 =	vld.idx.msk [tilespmem:v29+s2+$0x0], $0xffff  }
0x3fc: {  	v31 =	vor.u32 $0x100, v13;
	v24 =	vor.u32 $0x80, v12;
	v29 =	vor.u32 $0x80, v10;
	[tilespmem:v18+s22+$0x0] =	vst.idx.add.f32.msk $0xffff, v21  }
0x3fd: {  	v21 =	vor.u32 $0x100, v14;
	v27 =	vld.idx.msk [tilespmem:v27+s2+$0x0], $0xffff  }
0x3fe: {  	v25 =	vor.u32 $0x100, v3;
	[tilespmem:v8+s22+$0x0] =	vst.idx.add.f32.msk $0xffff, v28  }
0x3ff: {  	v33 =	vor.u32 $0x80, v4;
	v26 =	vor.u32 $0x80, v16;
	[tilespmem:v11+s22+$0x0] =	vst.idx.add.f32.msk $0xffff, v30;
	v30 =	vor.u32 $0x80, v9  }
0x400: {  	[tilespmem:v23+s22+$0x0] =	vst.idx.add.f32.msk $0xffff, v22  }
0x401: {  	v28 =	vor.u32 $0x80, v6;
	[tilespmem:v24+s22+$0x0] =	vst.idx.add.f32.msk $0xffff, v20;
	v20 =	vor.u32 $0x100, v7  }
0x402: {  	v21 =	vld.idx.msk [tilespmem:v21+s2+$0x0], $0xffff  }
0x403: {  	v23 =	vor.u32 $0x80, v8;
	v22 =	vld.idx.msk [tilespmem:v32+s2+$0x0], $0xffff  }
0x404: {  	v24 =	vld.idx.msk [tilespmem:v16+s2+$0x0], $0xffff  }
0x405: {  	[tilespmem:v33+s22+$0x0] =	vst.idx.add.f32.msk $0xffff, v27  }
0x406: {  	v32 =	vor.u32 $0x100, v4;
	v33 =	vld.idx.msk [tilespmem:v20+s2+$0x0], $0xffff  }
0x407: {  	v35 =	vor.u32 $0x100, v5;
	v34 =	vld.idx.msk [tilespmem:v30+s2+$0x0], $0xffff  }
0x408: {  	v36 =	vor.u32 $0x80, v18;
	v31 =	vld.idx.msk [tilespmem:v31+s2+$0x0], $0xffff  }
0x409: {  	[tilespmem:v23+s22+$0x0] =	vst.idx.add.f32.msk $0xffff, v22  }
.Ltmp9:
0x40a: {  	v20 =	vor.u32 $0x100, v9;
	v29 =	vld.idx.msk [tilespmem:v29+s2+$0x0], $0xffff;
	(pc) =	sbr.rel @p0 .LBB2_20-.Ltmp9, $4  }
0x40b: {  	[tilespmem:v15+s22+$0x0] =	vst.idx.add.f32.msk $0xffff, v24  }
0x40c: {  	v27 =	vor.u32 $0x100, v10;
	v30 =	vor.u32 $0x80, v11;
	[tilespmem:v35+s22+$0x0] =	vst.idx.add.f32.msk $0xffff, v33  }
0x40d: {  	v23 =	vor.u32 $0x100, v12;
	[tilespmem:v36+s22+$0x0] =	vst.idx.add.f32.msk $0xffff, v34  }
0x40e: {  	s29 =	simm.s32 $0x770;
	s30 =	simm.s32 $0x1E980;
	s31 =	simm.s32 $0x1E180;
	[tilespmem:v32+s22+$0x0] =	vst.idx.add.f32.msk $0xffff, v31  }
0x40f: {  	_ =	sdelay $0x3  }
0x410: {  	v34 =	vld.idx.msk [tilespmem:v20+s2+$0x0], $0xffff  }
0x411: {  	v14 =	vor.u32 $0x180, v14;
	[tilespmem:v23+s22+$0x0] =	vst.idx.add.f32.msk $0xffff, v21  }
0x412: {  	[tilespmem:v30+s22+$0x0] =	vst.idx.add.f32.msk $0xffff, v29;
	v35 =	vor.u32 $0x100, v18  }
0x413: {  	v13 =	vor.u32 $0x180, v13;
	v22 =	vld.idx.msk [tilespmem:v25+s2+$0x0], $0xffff  }
0x414: {  	v24 =	vld.idx.msk [tilespmem:v26+s2+$0x0], $0xffff;
	v39 =	vor.u32 $0x80, v15  }
0x415: {  	v7 =	vor.u32 $0x180, v7;
	v43 =	vld.idx.msk [tilespmem:v27+s2+$0x0], $0xffff  }
0x416: {  	v2 =	vand.u32 $0x7F, v2;
	v51 =	vor.u32 $0x100, v8;
	v14 =	vld.idx.msk [tilespmem:v14+s2+$0x0], $0xffff  }
0x417: {  	v2 =	vor.u32 v2, v17;
	[tilespmem:v35+s22+$0x0] =	vst.idx.add.f32.msk $0xffff, v34  }
0x418: {  	v41 =	vor.u32 $0x100, v16;
	v13 =	vld.idx.msk [tilespmem:v13+s2+$0x0], $0xffff  }
0x419: {  	v9 =	vor.u32 $0x180, v9;
	[tilespmem:v39+s22+$0x0] =	vst.idx.add.f32.msk $0xffff, v24  }
0x41a: {  	v44 =	vor.u32 $0x100, v11;
	v7 =	vld.idx.msk [tilespmem:v7+s2+$0x0], $0xffff  }
0x41b: {  	v3 =	vor.u32 $0x180, v3;
	[tilespmem:v51+s22+$0x0] =	vst.idx.add.f32.msk $0xffff, v22  }
0x41c: {  	[tilespmem:v2+s22+$0x0] =	vst.idx.add.f32.msk $0xffff, v19  }
0x41d: {  	v10 =	vor.u32 $0x180, v10;
	v17 =	vld.idx.msk [tilespmem:v41+s2+$0x0], $0xffff  }
0x41e: {  	v38 =	vor.u32 $0x180, v12;
	v9 =	vld.idx.msk [tilespmem:v9+s2+$0x0], $0xffff  }
0x41f: {  	v54 =	vor.u32 $0x180, v4;
	[tilespmem:v44+s22+$0x0] =	vst.idx.add.f32.msk $0xffff, v43  }
0x420: {  	v55 =	vor.u32 $0x180, v5;
	v3 =	vld.idx.msk [tilespmem:v3+s2+$0x0], $0xffff  }
0x421: {  	v40 =	vor.u32 $0x200, v12;
	v36 =	vld.idx.msk [tilespmem:v28+s2+$0x0], $0xffff  }
0x422: {  	v45 =	vor.u32 $0x100, v15;
	v10 =	vld.idx.msk [tilespmem:v10+s2+$0x0], $0xffff  }
0x423: {  	v47 =	vor.u32 $0x180, v18;
	[tilespmem:v38+s22+$0x0] =	vst.idx.add.f32.msk $0xffff, v14  }
0x424: {  	v56 =	vor.u32 $0x200, v5;
	[tilespmem:v54+s22+$0x0] =	vst.idx.add.f32.msk $0xffff, v13  }
0x425: {  	v59 =	vor.u32 $0x180, v8;
	[tilespmem:v55+s22+$0x0] =	vst.idx.add.f32.msk $0xffff, v7  }
0x426: {  	v37 =	vor.u32 $0x80, v2;
	[tilespmem:v40+s22+$0x0] =	vst.idx.add.f32.msk $0xffff, v1  }
0x427: {  	v42 =	vor.u32 $0x100, v6;
	[tilespmem:v45+s22+$0x0] =	vst.idx.add.f32.msk $0xffff, v17  }
0x428: {  	v60 =	vor.u32 $0x200, v4;
	[tilespmem:v47+s22+$0x0] =	vst.idx.add.f32.msk $0xffff, v9  }
0x429: {  	v48 =	vor.u32 $0x200, v18;
	[tilespmem:v56+s22+$0x0] =	vst.idx.add.f32.msk $0xffff, v1  }
0x42a: {  	v49 =	vor.u32 $0x180, v16;
	[tilespmem:v59+s22+$0x0] =	vst.idx.add.f32.msk $0xffff, v3  }
0x42b: {  	v52 =	vor.u32 $0x180, v11;
	[tilespmem:v37+s22+$0x0] =	vst.idx.add.f32.msk $0xffff, v36  }
0x42c: {  	v46 =	vor.u32 $0x100, v2;
	v14 =	vld.idx.msk [tilespmem:v42+s2+$0x0], $0xffff  }
0x42d: {  	v50 =	vor.u32 $0x180, v6;
	[tilespmem:v60+s22+$0x0] =	vst.idx.add.f32.msk $0xffff, v1  }
0x42e: {  	v62 =	vor.u32 $0x200, v8;
	[tilespmem:v48+s22+$0x0] =	vst.idx.add.f32.msk $0xffff, v1  }
0x42f: {  	v61 =	vor.u32 $0x200, v11;
	v53 =	vld.idx.msk [tilespmem:v49+s2+$0x0], $0xffff  }
0x430: {  	v57 =	vor.u32 $0x180, v15;
	[tilespmem:v52+s22+$0x0] =	vst.idx.add.f32.msk $0xffff, v10  }
0x431: {  	v63 =	vor.u32 $0x200, v15;
	[tilespmem:v46+s22+$0x0] =	vst.idx.add.f32.msk $0xffff, v14  }
0x432: {  	v58 =	vor.u32 $0x180, v2;
	v6 =	vld.idx.msk [tilespmem:v50+s2+$0x0], $0xffff  }
0x433: {  	v2 =	vor.u32 $0x200, v2;
	[tilespmem:v62+s22+$0x0] =	vst.idx.add.f32.msk $0xffff, v1  }
0x434: {  	[tilespmem:v61+s22+$0x0] =	vst.idx.add.f32.msk $0xffff, v1  }
0x435: {  	[tilespmem:v57+s22+$0x0] =	vst.idx.add.f32.msk $0xffff, v53  }
0x436: {  	[tilespmem:v63+s22+$0x0] =	vst.idx.add.f32.msk $0xffff, v1  }
0x437: {  	[tilespmem:v58+s22+$0x0] =	vst.idx.add.f32.msk $0xffff, v6  }
0x438: {  	[tilespmem:v2+s22+$0x0] =	vst.idx.add.f32.msk $0xffff, v1  }
.LBB2_22:
0x439: {  	v2 =	vld [tilespmem:s31+$0x0];
	_ =	sdelay $0x4  }
0x43a: {  	v3 =	vld [tilespmem:s30+$0x0];
	v4 =	vshll.u32 v2, $0x2  }
0x43b: {  	v2 =	vand.u32 $0x7F, v2;
	v4 =	vand.u32 $0xFFFFFE00, v4  }
0x43c: {  	v2 =	vor.u32 v2, v4;
	_ =	sdelay $0x2  }
0x43d: {  	v59 =	vshll.u32 v3, $0x3  }
0x43e: {  	v3 =	vand.u32 $0x7F, v3;
	v4 =	vand.u32 $0xFFFFFC00, v59  }
0x43f: {  	v3 =	vor.u32 v3, v4;
	v5 =	vld.idx.msk [tilespmem:v2+s2+$0x0], $0xffff  }
0x440: {  	v60 =	vor.u32 $0x80, v2;
	_ =	sdelay $0x3  }
0x441: {  	[tilespmem:v3+s22+$0x0] =	vst.idx.add.f32.msk $0xffff, v5  }
0x442: {  	v61 =	vor.u32 $0x80, v3;
	v4 =	vld.idx.msk [tilespmem:v60+s2+$0x0], $0xffff  }
0x443: {  	v6 =	vor.u32 $0x100, v2;
	_ =	sdelay $0x3  }
0x444: {  	[tilespmem:v61+s22+$0x0] =	vst.idx.add.f32.msk $0xffff, v4  }
0x445: {  	v62 =	vor.u32 $0x100, v3;
	v4 =	vld.idx.msk [tilespmem:v6+s2+$0x0], $0xffff  }
0x446: {  	v2 =	vor.u32 $0x180, v2;
	_ =	sdelay $0x3  }
0x447: {  	[tilespmem:v62+s22+$0x0] =	vst.idx.add.f32.msk $0xffff, v4  }
0x448: {  	s29 =	sadd.s32 $0x10, s29;
	v63 =	vor.u32 $0x180, v3;
	v2 =	vld.idx.msk [tilespmem:v2+s2+$0x0], $0xffff  }
0x449: {  	p0 =	slt.u32 s29, $0x7C0;
	v3 =	vor.u32 $0x200, v3  }
.Ltmp10:
0x44a: {  	_ = 	snop;
	(pc) =	sbr.rel @p0 .LBB2_22-.Ltmp10, $3  }
0x44b: {  	_ =	sdelay $0x1  }
0x44c: {  	[tilespmem:v63+s22+$0x0] =	vst.idx.add.f32.msk $0xffff, v2  }
0x44d: {  	s30 =	sadd.s32 $0x10, s30;
	s31 =	sadd.s32 $0x10, s31;
	[tilespmem:v3+s22+$0x0] =	vst.idx.add.f32.msk $0xffff, v1  }
0x44e: {  	s25 =	sadd.s32 $0x1, s25  }
0x44f: {  	p0 =	sne.s32 s25, s15  }
.Ltmp11:
0x450: {  	_ = 	snop;
	(pc) =	sbr.rel @p0 .LBB2_1-.Ltmp11, $4  }
0x451: {  	[hbm4b:s14+s2] =	stream.linear.scatter [tilespmem:s22], [sflag:$0x4], $0x13C00, $0x38;
	[tilespmem:$0x1FA00] =	vst v63  }
0x452: {  	_ =	swait.ge [sflag:s24], $0x13C00  }
0x453: {  	[sflag:s24] =	ssyncset.done $0x0  }
0x454: {  	[sflag:s24] =	ssyncadd.s32 $0xFFFEC400  }
0x455: {  	_ =	sfence.sel $0x180000  }
0x456: {  	[bflag:$0x0] =	sbarrier.arrive $0xFFFF  }
0x457: {  	_ =	strace $0x90000047  }
0x458: {  	s0 =	stileid.u32;
	[bflag:$0x2] =	sbarrier.arrive $0xFFFF  }
0x459: {  	p0 =	sne.s32 s0, $0x0;
	s0 =	rddreg [dreg:$0x1]  }
0x45a: {  	s0 =	sadd.s32 @!p0 $0x100000, s0  }
0x45b: {  	[sflag:s0] =	ssyncadd.tile.s32 @!p0 $0x1;
	_ =	shalt  }
.Lfunc_end2:
_tile_overlayer_lowered:
.L_overlay_start_2:
0x45c: {  	(tag) =	ssettag $0x2  }
0x45d: {  	s0 =	rddreg [dreg:$0x0];
	s2 =	stileid.u32  }
0x45e: {  	s1 =	rddreg [dreg:$0x1];
	p0 =	sne.s32 s2, $0x0  }
0x45f: {  	s3 =	rddreg [dreg:$0x2];
	[bflag:$0x3] =	sbarrier.arrive $0xFFFF;
	s2 =	simm.s32 @!p0 $0x1C04  }
0x460: {  	[timem:s3], [sflag:s2] =	dma.local @!p0 [hbm:s0], s1  }
0x461: {  	s0 =	simm.s32 @!p0 $0x4  }
0x462: {  	_ =	swait.ge @!p0 [sflag:s0], s1  }
0x463: {  	s1 =	ssub.s32 @!p0 $0x0, s1;
	[sflag:s0] =	ssyncset.done @!p0 $0x0  }
0x464: {  	[sflag:s0] =	ssyncadd.s32 @!p0 s1  }
0x465: {  	[bflag:$0x3] =	sbarrier.arrive $0xFFFF  }
0x466: {  	_ =	shalt  }

</sc_bundles>
